<compile_context>
chip_gen: v7x
topology: tpu7x:2x2x1
jax: 0.10.2.dev20260603
libtpu: 0.0.44.dev20260713+nightly
codegen_flags: <defaults>
</compile_context>

<pallas_src>
import functools

import jax
import jax.numpy as jnp
from jax import lax
from jax.experimental import pallas as pl
from jax.experimental.pallas import tpu as pltpu
from jax.experimental.pallas import tpu_sc as plsc

_G = 256
_W = 100.0
_DIFF = 0.1
_DECAY = 0.01
_DT = 0.1
_N = 1024
_NC = 2
_NS = 16
_NW = _NC * _NS
_PAIRS = _N * _N
_PER_W = _PAIRS // _NW
_CH = 128
_NCHUNK = _PER_W // _CH
_CELLS = _G * _G


def _pairs_body(pxc_ref, pyc_ref, pxr_ref, pyr_ref, ra_ref, w_ref, cell_ref):
    pxc = pxc_ref[...]
    pyc = pyc_ref[...]
    pxr = pxr_ref[...]
    pyr = pyr_ref[...]
    ra = ra_ref[...]

    nrm = jnp.sqrt(jnp.sum(ra * ra, axis=1, keepdims=True))
    an16 = ra[:, :16] / (nrm + 1e-8)
    sim = lax.dot_general(an16, an16, (((1,), (1,)), ((), ())),
                          preferred_element_type=jnp.float32)

    dx = pxc - pxr
    dy = pyc - pyr
    dist = jnp.sqrt(dx * dx + dy * dy)
    near = (dist < 10.0).astype(jnp.float32)

    ii = lax.broadcasted_iota(jnp.int32, (_N, _N), 0)
    jj = lax.broadcasted_iota(jnp.int32, (_N, _N), 1)
    offdiag = (ii != jj).astype(jnp.float32)

    sig = 1.0 / (1.0 + jnp.exp(-5.0 * sim))
    w_ref[...] = sig * near * offdiag * (0.5 * _DT)

    midx = (pxc + pxr) * 0.5
    midy = (pyc + pyr) * 0.5
    cx = jnp.clip((midx / _W * _G).astype(jnp.int32), 0, _G - 1)
    cy = jnp.clip((midy / _W * _G).astype(jnp.int32), 0, _G - 1)
    cell_ref[...] = cx * _G + cy + ((ii % 512) // 32) * _CELLS


def _pairs_call(pxc, pyc, pxr, pyr, ra):
    return pl.pallas_call(
        _pairs_body,
        out_shape=(
            jax.ShapeDtypeStruct((_N, _N), jnp.float32),
            jax.ShapeDtypeStruct((_N, _N), jnp.int32),
        ),
    )(pxc, pyc, pxr, pyr, ra)


_ROWS_S = 256
_HROW = 128
_ZB = 4096


def _sc_scatter_body(w_hbm, idx_hbm, out_hbm, vals_v, idx_v, zero_v, acc_sh):
    c = lax.axis_index("c")
    s = lax.axis_index("s")
    wid = c * _NS + s

    def _zbody(i, carry):
        zero_v[pl.ds(i * 16, 16)] = jnp.zeros((16,), jnp.float32)
        return carry

    lax.fori_loop(0, _ZB // 16, _zbody, 0)

    def _zcopy(k, carry):
        pltpu.sync_copy(zero_v, acc_sh.at[pl.ds(s * _CELLS + k * _ZB, _ZB)])
        return carry

    lax.fori_loop(0, _CELLS // _ZB, _zcopy, 0)

    row0 = wid * _ROWS_S

    def _sbody(t, carry):
        row = (t % 16) * 8 + t // 16
        pltpu.sync_copy(vals_v.at[row], acc_sh.at[idx_v.at[row]], add=True)
        return carry

    for half in range(2):
        pltpu.sync_copy(w_hbm.at[pl.ds(row0 + half * _HROW, _HROW)], vals_v)
        pltpu.sync_copy(idx_hbm.at[pl.ds(row0 + half * _HROW, _HROW)], idx_v)
        lax.fori_loop(0, _HROW, _sbody, 0)

    pltpu.sync_copy(acc_sh.at[pl.ds(s * _CELLS, _CELLS)], out_hbm.at[wid])


def _sc_scatter(w_flat, cell_flat):
    mesh = plsc.VectorSubcoreMesh(core_axis_name="c", subcore_axis_name="s")
    fn = functools.partial(
        pl.kernel,
        out_type=jax.ShapeDtypeStruct((_NW, _CELLS), jnp.float32),
        mesh=mesh,
        scratch_types=[
            pltpu.VMEM((_HROW, _CH), jnp.float32),
            pltpu.VMEM((_HROW, _CH), jnp.int32),
            pltpu.VMEM((_ZB,), jnp.float32),
            pltpu.VMEM_SHARED((_NS * _CELLS,), jnp.float32),
        ],
    )(_sc_scatter_body)
    return fn(w_flat, cell_flat)


def _reduce_body(r32_ref, r1_ref):
    r1_ref[...] = jnp.sum(r32_ref[...], axis=0, keepdims=True)


def _reduce_call(r32):
    return pl.pallas_call(
        _reduce_body,
        out_shape=jax.ShapeDtypeStruct((1, _CELLS), jnp.float32),
    )(r32)


_WB = 32
_NB = _G // _WB


def _scatter_body(pxc_ref, pyc_ref, ra_ref, cf_ref, gf_ref,
                  cfp_ref, gfo_ref):
    wb = pl.program_id(0)
    pxc = pxc_ref[...]
    pyc = pyc_ref[...]
    ra = ra_ref[...]

    gxq = jnp.clip((pxc / _W * _G).astype(jnp.int32), 0, _G - 1)
    gyq = jnp.clip((pyc / _W * _G).astype(jnp.int32), 0, _G - 1)

    hrow = lax.broadcasted_iota(jnp.int32, (1, _G), 1)
    hx = (gxq == hrow).astype(jnp.float32)

    j16 = lax.broadcasted_iota(jnp.int32, (1, _WB * 16), 1)
    hy16 = (gyq == (wb * _WB + j16 // 16)).astype(jnp.float32)
    c16 = lax.broadcasted_iota(jnp.int32, (16, 1), 0)
    l16 = (c16 == (j16 % 16)).astype(jnp.float32)
    hxb = hx.astype(jnp.bfloat16)
    a16 = ra[:, :16] * _DT
    a16t = lax.dot_general(a16, l16, (((1,), (0,)), ((), ())),
                           preferred_element_type=jnp.float32)
    m16 = (hy16 * a16t).astype(jnp.bfloat16)
    upd16 = lax.dot_general(hxb, m16, (((0,), (0,)), ((), ())),
                            preferred_element_type=jnp.float32)
    cfp_ref[...] = cf_ref[...] + upd16

    j32 = lax.broadcasted_iota(jnp.int32, (1, _WB * 32), 1)
    hy32 = (gyq == (wb * _WB + j32 // 32)).astype(jnp.float32)
    c32 = lax.broadcasted_iota(jnp.int32, (32, 1), 0)
    l32 = (c32 == (j32 % 32)).astype(jnp.float32)
    a32 = ra[:, :32] * (_DT * 0.1)
    a32t = lax.dot_general(a32, l32, (((1,), (0,)), ((), ())),
                           preferred_element_type=jnp.float32)
    m32 = (hy32 * a32t).astype(jnp.bfloat16)
    upd32 = lax.dot_general(hxb, m32, (((0,), (0,)), ((), ())),
                            preferred_element_type=jnp.float32)
    gfo_ref[...] = (gf_ref[...] + upd32) * (1.0 - _DECAY * 0.1 * _DT)


def _scatter_call(pxc, pyc, ra, cfr, gfr):
    n16 = _WB * 16
    n32 = _WB * 32
    return pl.pallas_call(
        _scatter_body,
        grid=(_NB,),
        in_specs=[
            pl.BlockSpec((_N, 1), lambda wb: (0, 0)),
            pl.BlockSpec((_N, 1), lambda wb: (0, 0)),
            pl.BlockSpec((_N, 64), lambda wb: (0, 0)),
            pl.BlockSpec((_G, n16), lambda wb: (0, wb)),
            pl.BlockSpec((_G, n32), lambda wb: (0, wb)),
        ],
        out_specs=[
            pl.BlockSpec((_G, n16), lambda wb: (0, wb)),
            pl.BlockSpec((_G, n32), lambda wb: (0, wb)),
        ],
        out_shape=[
            jax.ShapeDtypeStruct((_G, _G * 16), jnp.float32),
            jax.ShapeDtypeStruct((_G, _G * 32), jnp.float32),
        ],
    )(pxc, pyc, ra, cfr, gfr)


def _lap(x, ch):
    up = jnp.concatenate([x[:1, :], x[:-1, :]], axis=0)
    dn = jnp.concatenate([x[1:, :], x[-1:, :]], axis=0)
    lf = jnp.concatenate([x[:, :ch], x[:, :-ch]], axis=1)
    rt = jnp.concatenate([x[:, ch:], x[:, -ch:]], axis=1)
    return up + dn + lf + rt - 4.0 * x


def _diffuse_body(cfp_ref, rf_ref, r1_ref, cfo_ref, rfo_ref):
    cf = cfp_ref[...]
    rsum = r1_ref[...]
    wcol = lax.broadcasted_iota(jnp.int32, (_G, 1), 0)
    j16 = lax.broadcasted_iota(jnp.int32, (1, _G * 16), 1)
    k16 = (wcol == (j16 // 16)).astype(jnp.float32)
    rexp = lax.dot_general(rsum, k16, (((1,), (0,)), ((), ())),
                           preferred_element_type=jnp.float32)
    rf = rf_ref[...] + rexp
    cfo_ref[...] = (cf + (_DIFF * _DT) * _lap(cf, 16)) * (1.0 - _DECAY * _DT)
    rfo_ref[...] = (rf + (_DIFF * 2.0 * _DT) * _lap(rf, 16)) * (1.0 - _DECAY * 0.5 * _DT)


def _diffuse_call(cfp, rfr, r1g):
    return pl.pallas_call(
        _diffuse_body,
        out_shape=(
            jax.ShapeDtypeStruct((_G, _G * 16), jnp.float32),
            jax.ShapeDtypeStruct((_G, _G * 16), jnp.float32),
        ),
    )(cfp, rfr, r1g)


def kernel(robot_positions, robot_activities, consciousness_field,
           resonance_field, genetic_field):
    pxc = robot_positions[:, 0:1]
    pyc = robot_positions[:, 1:2]
    pxr = jnp.reshape(pxc, (1, _N))
    pyr = jnp.reshape(pyc, (1, _N))

    w, cell = _pairs_call(pxc, pyc, pxr, pyr, robot_activities)
    r32 = _sc_scatter(jnp.reshape(w, (_PAIRS // _CH, _CH)),
                      jnp.reshape(cell, (_PAIRS // _CH, _CH)))
    r1 = _reduce_call(r32)

    cfr = jnp.reshape(consciousness_field, (_G, _G * 16))
    rfr = jnp.reshape(resonance_field, (_G, _G * 16))
    gfr = jnp.reshape(genetic_field, (_G, _G * 32))
    r1g = jnp.reshape(r1, (_G, _G))

    cfp, gfo = _scatter_call(pxc, pyc, robot_activities, cfr, gfr)
    cfo, rfo = _diffuse_call(cfp, rfr, r1g)

    return (jnp.reshape(cfo, (_G, _G, 16)),
            jnp.reshape(rfo, (_G, _G, 16)),
            jnp.reshape(gfo, (_G, _G, 32)))

# --- scband reference (transcript-rebuilt; emitter-appended) ---
"""Pipeline reference for scband-uprtfield-59682865545666 (READ-ONLY COPY).

The authoritative reference and input builder live on the scoring server;
editing this copy changes nothing except your own understanding.
"""

import jax, jax.numpy as jnp
import numpy as np

GRID = (256, 256)
WORLD = (100.0, 100.0)
DIFF = 0.1
DECAY = 0.01
DT = 0.1
N_ROBOTS = 1024
ACT_DIM = 64


def _apply_diffusion(field, coeff, dt):
    # field: [H, W, C] -> laplacian with replicate padding
    f = jnp.transpose(field, (2, 0, 1))
    p = jnp.pad(f, ((0, 0), (1, 1), (1, 1)), mode='edge')
    lap = (p[:, 2:, 1:-1] + p[:, :-2, 1:-1] + p[:, 1:-1, 2:] + p[:, 1:-1, :-2]
           - 4.0 * p[:, 1:-1, 1:-1])
    out = f + coeff * dt * lap
    return jnp.transpose(out, (1, 2, 0))


def setup_inputs(seed: int = 0) -> dict:
    key = jax.random.key(seed)
    k1, k2, k3, k4, k5 = jax.random.split(key, 5)
    robot_positions = jax.random.uniform(k1, (N_ROBOTS, 2), dtype=jnp.float32) * jnp.array(WORLD, dtype=jnp.float32)
    robot_activities = jax.random.normal(k2, (N_ROBOTS, ACT_DIM), dtype=jnp.float32)
    consciousness_field = jax.random.uniform(k3, (GRID[0], GRID[1], 16), dtype=jnp.float32)
    resonance_field = jax.random.uniform(k4, (GRID[0], GRID[1], 16), dtype=jnp.float32)
    genetic_field = jax.random.uniform(k5, (GRID[0], GRID[1], 32), dtype=jnp.float32)
    return {
        'robot_positions': robot_positions,
        'robot_activities': robot_activities,
        'consciousness_field': consciousness_field,
        'resonance_field': resonance_field,
        'genetic_field': genetic_field,
    }


def reference(robot_positions, robot_activities, consciousness_field, resonance_field, genetic_field):
    dt = DT
    pos_ng = jax.lax.stop_gradient(robot_positions)

    # --- consciousness field: scatter-add robot activities at grid cells ---
    gx = jnp.clip((pos_ng[:, 0] / WORLD[0] * GRID[0]).astype(jnp.int32), 0, GRID[0] - 1)
    gy = jnp.clip((pos_ng[:, 1] / WORLD[1] * GRID[1]).astype(jnp.int32), 0, GRID[1] - 1)
    cf = consciousness_field.at[gx, gy].add(robot_activities[:, :16] * dt)
    cf = _apply_diffusion(cf, DIFF, dt)
    cf = cf * (1.0 - DECAY * dt)

    # --- resonance field: pairwise interactions within distance 10 ---
    N = robot_positions.shape[0]
    i_idx, j_idx = jnp.triu_indices(N, k=1)
    dvec = pos_ng[i_idx] - pos_ng[j_idx]
    pair_dists = jnp.sqrt(jnp.sum(dvec * dvec, axis=-1))
    mask = (pair_dists < 10.0).astype(jnp.float32)
    norms = jnp.sqrt(jnp.sum(robot_activities * robot_activities, axis=1, keepdims=True))
    act_norm = robot_activities / (norms + 1e-08)
    sim = jnp.sum(act_norm[i_idx, :16] * act_norm[j_idx, :16], axis=1)
    resonances = jax.nn.sigmoid(sim * 5.0)
    mid = (pos_ng[i_idx] + pos_ng[j_idx]) / 2.0
    rgx = jnp.clip((mid[:, 0] / WORLD[0] * GRID[0]).astype(jnp.int32), 0, GRID[0] - 1)
    rgy = jnp.clip((mid[:, 1] / WORLD[1] * GRID[1]).astype(jnp.int32), 0, GRID[1] - 1)
    contrib = (resonances * mask * dt)[:, None] * jnp.ones((1, 16), dtype=jnp.float32)
    rf = resonance_field.at[rgx, rgy].add(contrib)
    rf = _apply_diffusion(rf, DIFF * 2.0, dt)
    rf = rf * (1.0 - DECAY * 0.5 * dt)

    # --- genetic field: scatter-add first 32 activity dims ---
    gf = genetic_field.at[gx, gy].add(robot_activities[:, :32] * dt * 0.1)
    gf = gf * (1.0 - DECAY * 0.1 * dt)

    return cf, rf, gf

if __name__ == "__main__":
    import jax
    _d = setup_inputs()
    print(jax.jit(kernel)(*tuple(_d.values())))

</pallas_src>

<mosaic_0001>
#map = affine_map<(d0, d1) -> (0, 0)>
module attributes {stable_mosaic.version = 14 : i64} {
  func.func @_sc_scatter_body(%arg0: i32, %arg1: i32, %arg2: memref<8192x128xf32, #tpu.memory_space<hbm>>, %arg3: memref<8192x128xi32, #tpu.memory_space<hbm>>, %arg4: memref<32x65536xf32, #tpu.memory_space<hbm>>, %arg5: memref<128x128xf32, #tpu.memory_space<vmem>>, %arg6: memref<128x128xi32, #tpu.memory_space<vmem>>, %arg7: memref<4096xf32, #tpu.memory_space<vmem>>, %arg8: memref<1048576xf32, #tpu.memory_space<vmem_shared>>) attributes {dimension_semantics = [#tpu.dimension_semantics<core_parallel>, #tpu.dimension_semantics<subcore_parallel>], iteration_bounds = array<i64: 2, 16>, scalar_prefetch = 0 : i64, scratch_operands = 4 : i64, tpu.core_type = #tpu.core_type<sc_vector_subcore>, window_params = [{transform_indices = #map}, {transform_indices = #map}, {transform_indices = #map}]} {
    %mul3A = arith.constant 16 : i32
    %mul3A_0 = arith.muli %arg0, %mul3A : i32
    %add3A = arith.addi %mul3A_0, %arg1 : i32
    %scan3A = arith.constant 0 : i32
    %scan3A_1 = arith.constant 0 : i32
    %scan3A_2 = arith.constant 256 : i32
    %scan3A_3 = arith.addi %scan3A_1, %scan3A_2 : i32
    %scan3A_4 = arith.constant 1 : i32
    scf.for %scan3A_36 = %scan3A_1 to %scan3A_3 step %scan3A_4  : i32 {
      %broadcast_in_dim3A = arith.constant 0.000000e+00 : f32
      %broadcast_in_dim3A_37 = vector.broadcast %broadcast_in_dim3A : f32 to vector<16xf32>
      %mul3A_38 = arith.constant 16 : i32
      %mul3A_39 = arith.muli %scan3A_36, %mul3A_38 : i32
      %swap3A = arith.index_cast %mul3A_39 : i32 to index
      %swap3A_40 = tpu.vector_load %arg7[%swap3A] {strides = array<i32>} : memref<4096xf32, #tpu.memory_space<vmem>>, vector<16xf32>,
      %swap3A_41 = vector.shape_cast %swap3A_40 : vector<16xf32> to vector<16xf32>
      %swap3A_42 = vector.shape_cast %broadcast_in_dim3A_37 : vector<16xf32> to vector<16xf32>
      tpu.vector_store %arg7[%swap3A], %swap3A_42 {strides = array<i32>} : memref<4096xf32, #tpu.memory_space<vmem>>, vector<16xf32>,
    }
    %scan3A_5 = arith.constant 256 : i32
    %scan3A_6 = arith.constant 0 : i32
    %scan3A_7 = arith.constant 0 : i32
    %scan3A_8 = arith.constant 16 : i32
    %scan3A_9 = arith.addi %scan3A_7, %scan3A_8 : i32
    %scan3A_10 = arith.constant 1 : i32
    scf.for %scan3A_36 = %scan3A_7 to %scan3A_9 step %scan3A_10  : i32 {
      %mul3A_37 = arith.constant 65536 : i32
      %mul3A_38 = arith.muli %arg1, %mul3A_37 : i32
      %mul3A_39 = arith.constant 4096 : i32
      %mul3A_40 = arith.muli %scan3A_36, %mul3A_39 : i32
      %add3A_41 = arith.addi %mul3A_38, %mul3A_40 : i32
      "tpu.region"() ({
        %run_scoped3A = tpu.sem_alloc : memref<!tpu.dma_semaphore, #tpu.memory_space<semaphore_mem>>
        %dma_start3A = tpu.memref_slice %arg8[%add3A_41] : memref<1048576xf32, #tpu.memory_space<vmem_shared>> -> memref<4096xf32, #tpu.memory_space<vmem_shared>>
        %dma_start3A_42 = tpu.memref_slice %arg8[%add3A_41] : memref<1048576xf32, #tpu.memory_space<vmem_shared>> -> memref<4096xf32, #tpu.memory_space<vmem_shared>>
        tpu.enqueue_dma source(%arg7 : memref<4096xf32, #tpu.memory_space<vmem>>) target(%dma_start3A_42 : memref<4096xf32, #tpu.memory_space<vmem_shared>>) target_semaphore(%run_scoped3A : memref<!tpu.dma_semaphore, #tpu.memory_space<semaphore_mem>>)
        %dma_wait3A = tpu.memref_slice %arg8[%add3A_41] : memref<1048576xf32, #tpu.memory_space<vmem_shared>> -> memref<4096xf32, #tpu.memory_space<vmem_shared>>
        %dma_wait3A_43 = tpu.memref_slice %arg8[%add3A_41] : memref<1048576xf32, #tpu.memory_space<vmem_shared>> -> memref<4096xf32, #tpu.memory_space<vmem_shared>>
        tpu.wait_dma2 semaphore(%run_scoped3A : memref<!tpu.dma_semaphore, #tpu.memory_space<semaphore_mem>>) src(%arg7 : memref<4096xf32, #tpu.memory_space<vmem>>) dst(%dma_wait3A_43 : memref<4096xf32, #tpu.memory_space<vmem_shared>>)
        tpu.yield
      }) : () -> ()
    }
    %scan3A_11 = arith.constant 16 : i32
    %mul3A_12 = arith.constant 256 : i32
    %mul3A_13 = arith.muli %add3A, %mul3A_12 : i32
    %add3A_14 = arith.constant 0 : i32
    %add3A_15 = arith.addi %mul3A_13, %add3A_14 : i32
    "tpu.region"() ({
      %run_scoped3A = tpu.sem_alloc : memref<!tpu.dma_semaphore, #tpu.memory_space<semaphore_mem>>
      %dma_start3A = arith.constant 0 : i32
      %dma_start3A_36 = tpu.memref_slice %arg2[%add3A_15, %dma_start3A] : memref<8192x128xf32, #tpu.memory_space<hbm>> -> memref<128x128xf32, #tpu.memory_space<hbm>>
      %dma_start3A_37 = arith.constant 0 : i32
      %dma_start3A_38 = tpu.memref_slice %arg2[%add3A_15, %dma_start3A_37] : memref<8192x128xf32, #tpu.memory_space<hbm>> -> memref<128x128xf32, #tpu.memory_space<hbm>>
      tpu.enqueue_dma source(%dma_start3A_38 : memref<128x128xf32, #tpu.memory_space<hbm>>) target(%arg5 : memref<128x128xf32, #tpu.memory_space<vmem>>) target_semaphore(%run_scoped3A : memref<!tpu.dma_semaphore, #tpu.memory_space<semaphore_mem>>)
      %dma_wait3A = arith.constant 0 : i32
      %dma_wait3A_39 = tpu.memref_slice %arg2[%add3A_15, %dma_wait3A] : memref<8192x128xf32, #tpu.memory_space<hbm>> -> memref<128x128xf32, #tpu.memory_space<hbm>>
      %dma_wait3A_40 = arith.constant 0 : i32
      %dma_wait3A_41 = tpu.memref_slice %arg2[%add3A_15, %dma_wait3A_40] : memref<8192x128xf32, #tpu.memory_space<hbm>> -> memref<128x128xf32, #tpu.memory_space<hbm>>
      tpu.wait_dma2 semaphore(%run_scoped3A : memref<!tpu.dma_semaphore, #tpu.memory_space<semaphore_mem>>) src(%dma_wait3A_41 : memref<128x128xf32, #tpu.memory_space<hbm>>) dst(%arg5 : memref<128x128xf32, #tpu.memory_space<vmem>>)
      tpu.yield
    }) : () -> ()
    %add3A_16 = arith.constant 0 : i32
    %add3A_17 = arith.addi %mul3A_13, %add3A_16 : i32
    "tpu.region"() ({
      %run_scoped3A = tpu.sem_alloc : memref<!tpu.dma_semaphore, #tpu.memory_space<semaphore_mem>>
      %dma_start3A = arith.constant 0 : i32
      %dma_start3A_36 = tpu.memref_slice %arg3[%add3A_17, %dma_start3A] : memref<8192x128xi32, #tpu.memory_space<hbm>> -> memref<128x128xi32, #tpu.memory_space<hbm>>
      %dma_start3A_37 = arith.constant 0 : i32
      %dma_start3A_38 = tpu.memref_slice %arg3[%add3A_17, %dma_start3A_37] : memref<8192x128xi32, #tpu.memory_space<hbm>> -> memref<128x128xi32, #tpu.memory_space<hbm>>
      tpu.enqueue_dma source(%dma_start3A_38 : memref<128x128xi32, #tpu.memory_space<hbm>>) target(%arg6 : memref<128x128xi32, #tpu.memory_space<vmem>>) target_semaphore(%run_scoped3A : memref<!tpu.dma_semaphore, #tpu.memory_space<semaphore_mem>>)
      %dma_wait3A = arith.constant 0 : i32
      %dma_wait3A_39 = tpu.memref_slice %arg3[%add3A_17, %dma_wait3A] : memref<8192x128xi32, #tpu.memory_space<hbm>> -> memref<128x128xi32, #tpu.memory_space<hbm>>
      %dma_wait3A_40 = arith.constant 0 : i32
      %dma_wait3A_41 = tpu.memref_slice %arg3[%add3A_17, %dma_wait3A_40] : memref<8192x128xi32, #tpu.memory_space<hbm>> -> memref<128x128xi32, #tpu.memory_space<hbm>>
      tpu.wait_dma2 semaphore(%run_scoped3A : memref<!tpu.dma_semaphore, #tpu.memory_space<semaphore_mem>>) src(%dma_wait3A_41 : memref<128x128xi32, #tpu.memory_space<hbm>>) dst(%arg6 : memref<128x128xi32, #tpu.memory_space<vmem>>)
      tpu.yield
    }) : () -> ()
    %scan3A_18 = arith.constant 0 : i32
    %scan3A_19 = arith.constant 0 : i32
    %scan3A_20 = arith.constant 128 : i32
    %scan3A_21 = arith.addi %scan3A_19, %scan3A_20 : i32
    %scan3A_22 = arith.constant 1 : i32
    scf.for %scan3A_36 = %scan3A_19 to %scan3A_21 step %scan3A_22  : i32 {
      %jit3A = arith.constant 16 : i32
      %eq3A = arith.constant 0 : i32
      %eq3A_37 = arith.cmpi eq, %jit3A, %eq3A : i32
      %jit3A_38 = arith.constant 1 : i32
      %select_n3A = arith.select %eq3A_37, %jit3A_38, %jit3A : i32
      %rem3A = arith.remsi %scan3A_36, %select_n3A : i32
      %ne3A = arith.constant 0 : i32
      %ne3A_39 = arith.cmpi ne, %rem3A, %ne3A : i32
      %lt3A = arith.constant 0 : i32
      %lt3A_40 = arith.cmpi slt, %rem3A, %lt3A : i32
      %lt3A_41 = arith.constant 0 : i32
      %lt3A_42 = arith.cmpi slt, %select_n3A, %lt3A_41 : i32
      %ne3A_43 = arith.xori %lt3A_40, %lt3A_42 : i1
      %and3A = arith.andi %ne3A_43, %ne3A_39 : i1
      %add3A_44 = arith.addi %rem3A, %select_n3A : i32
      %select_n3A_45 = arith.select %and3A, %add3A_44, %rem3A : i32
      %mul3A_46 = arith.constant 8 : i32
      %mul3A_47 = arith.muli %select_n3A_45, %mul3A_46 : i32
      %jit3A_48 = arith.constant 16 : i32
      %div3A = arith.divsi %scan3A_36, %jit3A_48 : i32
      %sign3A = arith.constant 0 : i32
      %sign3A_49 = arith.cmpi sgt, %scan3A_36, %sign3A : i32
      %sign3A_50 = arith.extui %sign3A_49 : i1 to i32
      %sign3A_51 = arith.constant 0 : i32
      %sign3A_52 = arith.cmpi slt, %scan3A_36, %sign3A_51 : i32
      %sign3A_53 = arith.extui %sign3A_52 : i1 to i32
      %sign3A_54 = arith.subi %sign3A_50, %sign3A_53 : i32
      %sign3A_55 = arith.constant 0 : i32
      %sign3A_56 = arith.cmpi sgt, %jit3A_48, %sign3A_55 : i32
      %sign3A_57 = arith.extui %sign3A_56 : i1 to i32
      %sign3A_58 = arith.constant 0 : i32
      %sign3A_59 = arith.cmpi slt, %jit3A_48, %sign3A_58 : i32
      %sign3A_60 = arith.extui %sign3A_59 : i1 to i32
      %sign3A_61 = arith.subi %sign3A_57, %sign3A_60 : i32
      %ne3A_62 = arith.cmpi ne, %sign3A_54, %sign3A_61 : i32
      %rem3A_63 = arith.remsi %scan3A_36, %jit3A_48 : i32
      %ne3A_64 = arith.constant 0 : i32
      %ne3A_65 = arith.cmpi ne, %rem3A_63, %ne3A_64 : i32
      %and3A_66 = arith.andi %ne3A_62, %ne3A_65 : i1
      %sub3A = arith.constant 1 : i32
      %sub3A_67 = arith.subi %div3A, %sub3A : i32
      %select_n3A_68 = arith.select %and3A_66, %sub3A_67, %div3A : i32
      %add3A_69 = arith.addi %mul3A_47, %select_n3A_68 : i32
      "tpu.region"() ({
        %run_scoped3A = tpu.sem_alloc : memref<!tpu.dma_semaphore, #tpu.memory_space<semaphore_mem>>
        %dma_start3A = arith.constant 0 : i32
        %dma_start3A_70 = tpu.memref_slice %arg5[%add3A_69, %dma_start3A] : memref<128x128xf32, #tpu.memory_space<vmem>> -> memref<1x128xf32, #tpu.memory_space<vmem>>
        %dma_start3A_71 = tpu.memref_squeeze %dma_start3A_70 : memref<1x128xf32, #tpu.memory_space<vmem>> -> memref<128xf32, #tpu.memory_space<vmem>>
        %dma_start3A_72 = arith.constant 0 : i32
        %dma_start3A_73 = tpu.memref_slice %arg6[%add3A_69, %dma_start3A_72] : memref<128x128xi32, #tpu.memory_space<vmem>> -> memref<1x128xi32, #tpu.memory_space<vmem>>
        %dma_start3A_74 = tpu.memref_squeeze %dma_start3A_73 : memref<1x128xi32, #tpu.memory_space<vmem>> -> memref<128xi32, #tpu.memory_space<vmem>>
        %dma_start3A_75 = arith.constant 0 : i32
        %dma_start3A_76 = tpu.memref_slice %arg8[%dma_start3A_75] : memref<1048576xf32, #tpu.memory_space<vmem_shared>> -> memref<1048576xf32, #tpu.memory_space<vmem_shared>>
        tpu.enqueue_indirect_dma source(%dma_start3A_71 : memref<128xf32, #tpu.memory_space<vmem>>) target(%dma_start3A_76 : memref<1048576xf32, #tpu.memory_space<vmem_shared>>) offsets(%dma_start3A_74 : memref<128xi32, #tpu.memory_space<vmem>>) semaphore(%run_scoped3A : memref<!tpu.dma_semaphore, #tpu.memory_space<semaphore_mem>>) {add = true}
        %dma_wait3A = arith.constant 0 : i32
        %dma_wait3A_77 = tpu.memref_slice %arg5[%add3A_69, %dma_wait3A] : memref<128x128xf32, #tpu.memory_space<vmem>> -> memref<1x128xf32, #tpu.memory_space<vmem>>
        %dma_wait3A_78 = tpu.memref_squeeze %dma_wait3A_77 : memref<1x128xf32, #tpu.memory_space<vmem>> -> memref<128xf32, #tpu.memory_space<vmem>>
        %dma_wait3A_79 = arith.constant 0 : i32
        %dma_wait3A_80 = tpu.memref_slice %arg6[%add3A_69, %dma_wait3A_79] : memref<128x128xi32, #tpu.memory_space<vmem>> -> memref<1x128xi32, #tpu.memory_space<vmem>>
        %dma_wait3A_81 = tpu.memref_squeeze %dma_wait3A_80 : memref<1x128xi32, #tpu.memory_space<vmem>> -> memref<128xi32, #tpu.memory_space<vmem>>
        %dma_wait3A_82 = arith.constant 0 : i32
        %dma_wait3A_83 = tpu.memref_slice %arg8[%dma_wait3A_82] : memref<1048576xf32, #tpu.memory_space<vmem_shared>> -> memref<1048576xf32, #tpu.memory_space<vmem_shared>>
        tpu.wait_indirect_dma semaphore(%run_scoped3A : memref<!tpu.dma_semaphore, #tpu.memory_space<semaphore_mem>>) src(%dma_wait3A_78 : memref<128xf32, #tpu.memory_space<vmem>>) dst(%dma_wait3A_83 : memref<1048576xf32, #tpu.memory_space<vmem_shared>>)
        tpu.yield
      }) : () -> ()
    }
    %scan3A_23 = arith.constant 128 : i32
    %add3A_24 = arith.constant 128 : i32
    %add3A_25 = arith.addi %mul3A_13, %add3A_24 : i32
    "tpu.region"() ({
      %run_scoped3A = tpu.sem_alloc : memref<!tpu.dma_semaphore, #tpu.memory_space<semaphore_mem>>
      %dma_start3A = arith.constant 0 : i32
      %dma_start3A_36 = tpu.memref_slice %arg2[%add3A_25, %dma_start3A] : memref<8192x128xf32, #tpu.memory_space<hbm>> -> memref<128x128xf32, #tpu.memory_space<hbm>>
      %dma_start3A_37 = arith.constant 0 : i32
      %dma_start3A_38 = tpu.memref_slice %arg2[%add3A_25, %dma_start3A_37] : memref<8192x128xf32, #tpu.memory_space<hbm>> -> memref<128x128xf32, #tpu.memory_space<hbm>>
      tpu.enqueue_dma source(%dma_start3A_38 : memref<128x128xf32, #tpu.memory_space<hbm>>) target(%arg5 : memref<128x128xf32, #tpu.memory_space<vmem>>) target_semaphore(%run_scoped3A : memref<!tpu.dma_semaphore, #tpu.memory_space<semaphore_mem>>)
      %dma_wait3A = arith.constant 0 : i32
      %dma_wait3A_39 = tpu.memref_slice %arg2[%add3A_25, %dma_wait3A] : memref<8192x128xf32, #tpu.memory_space<hbm>> -> memref<128x128xf32, #tpu.memory_space<hbm>>
      %dma_wait3A_40 = arith.constant 0 : i32
      %dma_wait3A_41 = tpu.memref_slice %arg2[%add3A_25, %dma_wait3A_40] : memref<8192x128xf32, #tpu.memory_space<hbm>> -> memref<128x128xf32, #tpu.memory_space<hbm>>
      tpu.wait_dma2 semaphore(%run_scoped3A : memref<!tpu.dma_semaphore, #tpu.memory_space<semaphore_mem>>) src(%dma_wait3A_41 : memref<128x128xf32, #tpu.memory_space<hbm>>) dst(%arg5 : memref<128x128xf32, #tpu.memory_space<vmem>>)
      tpu.yield
    }) : () -> ()
    %add3A_26 = arith.constant 128 : i32
    %add3A_27 = arith.addi %mul3A_13, %add3A_26 : i32
    "tpu.region"() ({
      %run_scoped3A = tpu.sem_alloc : memref<!tpu.dma_semaphore, #tpu.memory_space<semaphore_mem>>
      %dma_start3A = arith.constant 0 : i32
      %dma_start3A_36 = tpu.memref_slice %arg3[%add3A_27, %dma_start3A] : memref<8192x128xi32, #tpu.memory_space<hbm>> -> memref<128x128xi32, #tpu.memory_space<hbm>>
      %dma_start3A_37 = arith.constant 0 : i32
      %dma_start3A_38 = tpu.memref_slice %arg3[%add3A_27, %dma_start3A_37] : memref<8192x128xi32, #tpu.memory_space<hbm>> -> memref<128x128xi32, #tpu.memory_space<hbm>>
      tpu.enqueue_dma source(%dma_start3A_38 : memref<128x128xi32, #tpu.memory_space<hbm>>) target(%arg6 : memref<128x128xi32, #tpu.memory_space<vmem>>) target_semaphore(%run_scoped3A : memref<!tpu.dma_semaphore, #tpu.memory_space<semaphore_mem>>)
      %dma_wait3A = arith.constant 0 : i32
      %dma_wait3A_39 = tpu.memref_slice %arg3[%add3A_27, %dma_wait3A] : memref<8192x128xi32, #tpu.memory_space<hbm>> -> memref<128x128xi32, #tpu.memory_space<hbm>>
      %dma_wait3A_40 = arith.constant 0 : i32
      %dma_wait3A_41 = tpu.memref_slice %arg3[%add3A_27, %dma_wait3A_40] : memref<8192x128xi32, #tpu.memory_space<hbm>> -> memref<128x128xi32, #tpu.memory_space<hbm>>
      tpu.wait_dma2 semaphore(%run_scoped3A : memref<!tpu.dma_semaphore, #tpu.memory_space<semaphore_mem>>) src(%dma_wait3A_41 : memref<128x128xi32, #tpu.memory_space<hbm>>) dst(%arg6 : memref<128x128xi32, #tpu.memory_space<vmem>>)
      tpu.yield
    }) : () -> ()
    %scan3A_28 = arith.constant 0 : i32
    %scan3A_29 = arith.constant 0 : i32
    %scan3A_30 = arith.constant 128 : i32
    %scan3A_31 = arith.addi %scan3A_29, %scan3A_30 : i32
    %scan3A_32 = arith.constant 1 : i32
    scf.for %scan3A_36 = %scan3A_29 to %scan3A_31 step %scan3A_32  : i32 {
      %jit3A = arith.constant 16 : i32
      %eq3A = arith.constant 0 : i32
      %eq3A_37 = arith.cmpi eq, %jit3A, %eq3A : i32
      %jit3A_38 = arith.constant 1 : i32
      %select_n3A = arith.select %eq3A_37, %jit3A_38, %jit3A : i32
      %rem3A = arith.remsi %scan3A_36, %select_n3A : i32
      %ne3A = arith.constant 0 : i32
      %ne3A_39 = arith.cmpi ne, %rem3A, %ne3A : i32
      %lt3A = arith.constant 0 : i32
      %lt3A_40 = arith.cmpi slt, %rem3A, %lt3A : i32
      %lt3A_41 = arith.constant 0 : i32
      %lt3A_42 = arith.cmpi slt, %select_n3A, %lt3A_41 : i32
      %ne3A_43 = arith.xori %lt3A_40, %lt3A_42 : i1
      %and3A = arith.andi %ne3A_43, %ne3A_39 : i1
      %add3A_44 = arith.addi %rem3A, %select_n3A : i32
      %select_n3A_45 = arith.select %and3A, %add3A_44, %rem3A : i32
      %mul3A_46 = arith.constant 8 : i32
      %mul3A_47 = arith.muli %select_n3A_45, %mul3A_46 : i32
      %jit3A_48 = arith.constant 16 : i32
      %div3A = arith.divsi %scan3A_36, %jit3A_48 : i32
      %sign3A = arith.constant 0 : i32
      %sign3A_49 = arith.cmpi sgt, %scan3A_36, %sign3A : i32
      %sign3A_50 = arith.extui %sign3A_49 : i1 to i32
      %sign3A_51 = arith.constant 0 : i32
      %sign3A_52 = arith.cmpi slt, %scan3A_36, %sign3A_51 : i32
      %sign3A_53 = arith.extui %sign3A_52 : i1 to i32
      %sign3A_54 = arith.subi %sign3A_50, %sign3A_53 : i32
      %sign3A_55 = arith.constant 0 : i32
      %sign3A_56 = arith.cmpi sgt, %jit3A_48, %sign3A_55 : i32
      %sign3A_57 = arith.extui %sign3A_56 : i1 to i32
      %sign3A_58 = arith.constant 0 : i32
      %sign3A_59 = arith.cmpi slt, %jit3A_48, %sign3A_58 : i32
      %sign3A_60 = arith.extui %sign3A_59 : i1 to i32
      %sign3A_61 = arith.subi %sign3A_57, %sign3A_60 : i32
      %ne3A_62 = arith.cmpi ne, %sign3A_54, %sign3A_61 : i32
      %rem3A_63 = arith.remsi %scan3A_36, %jit3A_48 : i32
      %ne3A_64 = arith.constant 0 : i32
      %ne3A_65 = arith.cmpi ne, %rem3A_63, %ne3A_64 : i32
      %and3A_66 = arith.andi %ne3A_62, %ne3A_65 : i1
      %sub3A = arith.constant 1 : i32
      %sub3A_67 = arith.subi %div3A, %sub3A : i32
      %select_n3A_68 = arith.select %and3A_66, %sub3A_67, %div3A : i32
      %add3A_69 = arith.addi %mul3A_47, %select_n3A_68 : i32
      "tpu.region"() ({
        %run_scoped3A = tpu.sem_alloc : memref<!tpu.dma_semaphore, #tpu.memory_space<semaphore_mem>>
        %dma_start3A = arith.constant 0 : i32
        %dma_start3A_70 = tpu.memref_slice %arg5[%add3A_69, %dma_start3A] : memref<128x128xf32, #tpu.memory_space<vmem>> -> memref<1x128xf32, #tpu.memory_space<vmem>>
        %dma_start3A_71 = tpu.memref_squeeze %dma_start3A_70 : memref<1x128xf32, #tpu.memory_space<vmem>> -> memref<128xf32, #tpu.memory_space<vmem>>
        %dma_start3A_72 = arith.constant 0 : i32
        %dma_start3A_73 = tpu.memref_slice %arg6[%add3A_69, %dma_start3A_72] : memref<128x128xi32, #tpu.memory_space<vmem>> -> memref<1x128xi32, #tpu.memory_space<vmem>>
        %dma_start3A_74 = tpu.memref_squeeze %dma_start3A_73 : memref<1x128xi32, #tpu.memory_space<vmem>> -> memref<128xi32, #tpu.memory_space<vmem>>
        %dma_start3A_75 = arith.constant 0 : i32
        %dma_start3A_76 = tpu.memref_slice %arg8[%dma_start3A_75] : memref<1048576xf32, #tpu.memory_space<vmem_shared>> -> memref<1048576xf32, #tpu.memory_space<vmem_shared>>
        tpu.enqueue_indirect_dma source(%dma_start3A_71 : memref<128xf32, #tpu.memory_space<vmem>>) target(%dma_start3A_76 : memref<1048576xf32, #tpu.memory_space<vmem_shared>>) offsets(%dma_start3A_74 : memref<128xi32, #tpu.memory_space<vmem>>) semaphore(%run_scoped3A : memref<!tpu.dma_semaphore, #tpu.memory_space<semaphore_mem>>) {add = true}
        %dma_wait3A = arith.constant 0 : i32
        %dma_wait3A_77 = tpu.memref_slice %arg5[%add3A_69, %dma_wait3A] : memref<128x128xf32, #tpu.memory_space<vmem>> -> memref<1x128xf32, #tpu.memory_space<vmem>>
        %dma_wait3A_78 = tpu.memref_squeeze %dma_wait3A_77 : memref<1x128xf32, #tpu.memory_space<vmem>> -> memref<128xf32, #tpu.memory_space<vmem>>
        %dma_wait3A_79 = arith.constant 0 : i32
        %dma_wait3A_80 = tpu.memref_slice %arg6[%add3A_69, %dma_wait3A_79] : memref<128x128xi32, #tpu.memory_space<vmem>> -> memref<1x128xi32, #tpu.memory_space<vmem>>
        %dma_wait3A_81 = tpu.memref_squeeze %dma_wait3A_80 : memref<1x128xi32, #tpu.memory_space<vmem>> -> memref<128xi32, #tpu.memory_space<vmem>>
        %dma_wait3A_82 = arith.constant 0 : i32
        %dma_wait3A_83 = tpu.memref_slice %arg8[%dma_wait3A_82] : memref<1048576xf32, #tpu.memory_space<vmem_shared>> -> memref<1048576xf32, #tpu.memory_space<vmem_shared>>
        tpu.wait_indirect_dma semaphore(%run_scoped3A : memref<!tpu.dma_semaphore, #tpu.memory_space<semaphore_mem>>) src(%dma_wait3A_78 : memref<128xf32, #tpu.memory_space<vmem>>) dst(%dma_wait3A_83 : memref<1048576xf32, #tpu.memory_space<vmem_shared>>)
        tpu.yield
      }) : () -> ()
    }
    %scan3A_33 = arith.constant 128 : i32
    %mul3A_34 = arith.constant 65536 : i32
    %mul3A_35 = arith.muli %arg1, %mul3A_34 : i32
    "tpu.region"() ({
      %run_scoped3A = tpu.sem_alloc : memref<!tpu.dma_semaphore, #tpu.memory_space<semaphore_mem>>
      %dma_start3A = arith.constant 0 : i32
      %dma_start3A_36 = tpu.memref_slice %arg4[%add3A, %dma_start3A] : memref<32x65536xf32, #tpu.memory_space<hbm>> -> memref<1x65536xf32, #tpu.memory_space<hbm>>
      %dma_start3A_37 = tpu.memref_squeeze %dma_start3A_36 : memref<1x65536xf32, #tpu.memory_space<hbm>> -> memref<65536xf32, #tpu.memory_space<hbm>>
      %dma_start3A_38 = tpu.memref_slice %arg8[%mul3A_35] : memref<1048576xf32, #tpu.memory_space<vmem_shared>> -> memref<65536xf32, #tpu.memory_space<vmem_shared>>
      tpu.enqueue_dma source(%dma_start3A_38 : memref<65536xf32, #tpu.memory_space<vmem_shared>>) target(%dma_start3A_37 : memref<65536xf32, #tpu.memory_space<hbm>>) target_semaphore(%run_scoped3A : memref<!tpu.dma_semaphore, #tpu.memory_space<semaphore_mem>>)
      %dma_wait3A = arith.constant 0 : i32
      %dma_wait3A_39 = tpu.memref_slice %arg4[%add3A, %dma_wait3A] : memref<32x65536xf32, #tpu.memory_space<hbm>> -> memref<1x65536xf32, #tpu.memory_space<hbm>>
      %dma_wait3A_40 = tpu.memref_squeeze %dma_wait3A_39 : memref<1x65536xf32, #tpu.memory_space<hbm>> -> memref<65536xf32, #tpu.memory_space<hbm>>
      %dma_wait3A_41 = tpu.memref_slice %arg8[%mul3A_35] : memref<1048576xf32, #tpu.memory_space<vmem_shared>> -> memref<65536xf32, #tpu.memory_space<vmem_shared>>
      tpu.wait_dma2 semaphore(%run_scoped3A : memref<!tpu.dma_semaphore, #tpu.memory_space<semaphore_mem>>) src(%dma_wait3A_41 : memref<65536xf32, #tpu.memory_space<vmem_shared>>) dst(%dma_wait3A_40 : memref<65536xf32, #tpu.memory_space<hbm>>)
      tpu.yield
    }) : () -> ()
    return
  }
}

module attributes {stable_mosaic.version = 14 : i64} {
  func.func @_pairs_body(%arg0: memref<1024x1xf32, #tpu.memory_space<vmem>>, %arg1: memref<1024x1xf32, #tpu.memory_space<vmem>>, %arg2: memref<1x1024xf32, #tpu.memory_space<vmem>>, %arg3: memref<1x1024xf32, #tpu.memory_space<vmem>>, %arg4: memref<1024x64xf32, #tpu.memory_space<vmem>>, %arg5: memref<1024x1024xf32, #tpu.memory_space<vmem>>, %arg6: memref<1024x1024xi32, #tpu.memory_space<vmem>>) attributes {dimension_semantics = [], scalar_prefetch = 0 : i64, scratch_operands = 0 : i64, tpu.core_type = #tpu.core_type<tc>} {
    %get3A = arith.constant 0 : index
    %get3A_0 = arith.constant 0 : index
    %get3A_1 = vector.load %arg0[%get3A, %get3A_0] : memref<1024x1xf32, #tpu.memory_space<vmem>>, vector<1024x1xf32>
    %get3A_2 = arith.constant 0 : index
    %get3A_3 = arith.constant 0 : index
    %get3A_4 = vector.load %arg1[%get3A_2, %get3A_3] : memref<1024x1xf32, #tpu.memory_space<vmem>>, vector<1024x1xf32>
    %get3A_5 = arith.constant 0 : index
    %get3A_6 = arith.constant 0 : index
    %get3A_7 = vector.load %arg2[%get3A_5, %get3A_6] : memref<1x1024xf32, #tpu.memory_space<vmem>>, vector<1x1024xf32>
    %get3A_8 = arith.constant 0 : index
    %get3A_9 = arith.constant 0 : index
    %get3A_10 = vector.load %arg3[%get3A_8, %get3A_9] : memref<1x1024xf32, #tpu.memory_space<vmem>>, vector<1x1024xf32>
    %get3A_11 = arith.constant 0 : index
    %get3A_12 = arith.constant 0 : index
    %get3A_13 = vector.load %arg4[%get3A_11, %get3A_12] : memref<1024x64xf32, #tpu.memory_space<vmem>>, vector<1024x64xf32>
    %mul3A = arith.mulf %get3A_13, %get3A_13 : vector<1024x64xf32>
    %reduce_sum3A = arith.constant dense<0.000000e+00> : vector<1024xf32>
    %reduce_sum3A_14 = vector.multi_reduction <add>, %mul3A, %reduce_sum3A [1] : vector<1024x64xf32> to vector<1024xf32>
    %broadcast_in_dim3A = vector.shape_cast %reduce_sum3A_14 : vector<1024xf32> to vector<1024x1xf32>
    %sqrt3A = math.sqrt %broadcast_in_dim3A : vector<1024x1xf32>
    %slice3A = vector.extract_strided_slice %get3A_13 {offsets = [0, 0], sizes = [1024, 16], strides = [1, 1]} : vector<1024x64xf32> to vector<1024x16xf32>
    %add3A = arith.constant 9.99999993E-9 : f32
    %add3A_15 = vector.broadcast %add3A : f32 to vector<1024x1xf32>
    %add3A_16 = arith.addf %sqrt3A, %add3A_15 : vector<1024x1xf32>
    %div3A = vector.broadcast %add3A_16 : vector<1024x1xf32> to vector<1024x16xf32>
    %div3A_17 = arith.divf %slice3A, %div3A : vector<1024x16xf32>
    %dot_general3A = arith.constant dense<0.000000e+00> : vector<1024x1024xf32>
    %dot_general3A_18 = tpu.matmul %div3A_17, %div3A_17, %dot_general3A {dimension_numbers = #tpu.dot_dimension_numbers<[1], [1], [0], [0], [0, 0, 1, 0], [], []>, transpose_lhs_hint = false} : vector<1024x16xf32>, vector<1024x16xf32>, vector<1024x1024xf32> -> vector<1024x1024xf32>
    %sub3A = vector.broadcast %get3A_1 : vector<1024x1xf32> to vector<1024x1024xf32>
    %sub3A_19 = vector.broadcast %get3A_7 : vector<1x1024xf32> to vector<1024x1024xf32>
    %sub3A_20 = arith.subf %sub3A, %sub3A_19 : vector<1024x1024xf32>
    %sub3A_21 = vector.broadcast %get3A_4 : vector<1024x1xf32> to vector<1024x1024xf32>
    %sub3A_22 = vector.broadcast %get3A_10 : vector<1x1024xf32> to vector<1024x1024xf32>
    %sub3A_23 = arith.subf %sub3A_21, %sub3A_22 : vector<1024x1024xf32>
    %mul3A_24 = arith.mulf %sub3A_20, %sub3A_20 : vector<1024x1024xf32>
    %mul3A_25 = arith.mulf %sub3A_23, %sub3A_23 : vector<1024x1024xf32>
    %add3A_26 = arith.addf %mul3A_24, %mul3A_25 : vector<1024x1024xf32>
    %sqrt3A_27 = math.sqrt %add3A_26 : vector<1024x1024xf32>
    %lt3A = arith.constant 1.000000e+01 : f32
    %lt3A_28 = vector.broadcast %lt3A : f32 to vector<1024x1024xf32>
    %lt3A_29 = arith.cmpf olt, %sqrt3A_27, %lt3A_28 : vector<1024x1024xf32>
    %convert_element_type3A = arith.extui %lt3A_29 : vector<1024x1024xi1> to vector<1024x1024xi32>
    %convert_element_type3A_30 = arith.sitofp %convert_element_type3A : vector<1024x1024xi32> to vector<1024x1024xf32>
    %iota3A = tpu.iota {dimensions = array<i32: 0>} : vector<1024x1024xi32>
    %iota3A_31 = tpu.iota {dimensions = array<i32: 1>} : vector<1024x1024xi32>
    %ne3A = arith.cmpi ne, %iota3A, %iota3A_31 : vector<1024x1024xi32>
    %convert_element_type3A_32 = arith.extui %ne3A : vector<1024x1024xi1> to vector<1024x1024xi32>
    %convert_element_type3A_33 = arith.sitofp %convert_element_type3A_32 : vector<1024x1024xi32> to vector<1024x1024xf32>
    %mul3A_34 = arith.constant -5.000000e+00 : f32
    %mul3A_35 = vector.broadcast %mul3A_34 : f32 to vector<1024x1024xf32>
    %mul3A_36 = arith.mulf %mul3A_35, %dot_general3A_18 : vector<1024x1024xf32>
    %exp3A = math.exp %mul3A_36 : vector<1024x1024xf32>
    %add3A_37 = arith.constant 1.000000e+00 : f32
    %add3A_38 = vector.broadcast %add3A_37 : f32 to vector<1024x1024xf32>
    %add3A_39 = arith.addf %add3A_38, %exp3A : vector<1024x1024xf32>
    %div3A_40 = arith.constant 1.000000e+00 : f32
    %div3A_41 = vector.broadcast %div3A_40 : f32 to vector<1024x1024xf32>
    %div3A_42 = arith.divf %div3A_41, %add3A_39 : vector<1024x1024xf32>
    %mul3A_43 = arith.mulf %div3A_42, %convert_element_type3A_30 : vector<1024x1024xf32>
    %mul3A_44 = arith.mulf %mul3A_43, %convert_element_type3A_33 : vector<1024x1024xf32>
    %mul3A_45 = arith.constant 5.000000e-02 : f32
    %mul3A_46 = vector.broadcast %mul3A_45 : f32 to vector<1024x1024xf32>
    %mul3A_47 = arith.mulf %mul3A_44, %mul3A_46 : vector<1024x1024xf32>
    %swap3A = arith.constant 0 : index
    %swap3A_48 = arith.constant 0 : index
    %swap3A_49 = vector.load %arg5[%swap3A, %swap3A_48] : memref<1024x1024xf32, #tpu.memory_space<vmem>>, vector<1024x1024xf32>
    tpu.vector_store %arg5[%swap3A, %swap3A_48], %mul3A_47 {strides = array<i32>} : memref<1024x1024xf32, #tpu.memory_space<vmem>>, vector<1024x1024xf32>,
    %add3A_50 = vector.broadcast %get3A_1 : vector<1024x1xf32> to vector<1024x1024xf32>
    %add3A_51 = vector.broadcast %get3A_7 : vector<1x1024xf32> to vector<1024x1024xf32>
    %add3A_52 = arith.addf %add3A_50, %add3A_51 : vector<1024x1024xf32>
    %mul3A_53 = arith.constant 5.000000e-01 : f32
    %mul3A_54 = vector.broadcast %mul3A_53 : f32 to vector<1024x1024xf32>
    %mul3A_55 = arith.mulf %add3A_52, %mul3A_54 : vector<1024x1024xf32>
    %add3A_56 = vector.broadcast %get3A_4 : vector<1024x1xf32> to vector<1024x1024xf32>
    %add3A_57 = vector.broadcast %get3A_10 : vector<1x1024xf32> to vector<1024x1024xf32>
    %add3A_58 = arith.addf %add3A_56, %add3A_57 : vector<1024x1024xf32>
    %mul3A_59 = arith.constant 5.000000e-01 : f32
    %mul3A_60 = vector.broadcast %mul3A_59 : f32 to vector<1024x1024xf32>
    %mul3A_61 = arith.mulf %add3A_58, %mul3A_60 : vector<1024x1024xf32>
    %div3A_62 = arith.constant 1.000000e+02 : f32
    %div3A_63 = vector.broadcast %div3A_62 : f32 to vector<1024x1024xf32>
    %div3A_64 = arith.divf %mul3A_55, %div3A_63 : vector<1024x1024xf32>
    %mul3A_65 = arith.constant 2.560000e+02 : f32
    %mul3A_66 = vector.broadcast %mul3A_65 : f32 to vector<1024x1024xf32>
    %mul3A_67 = arith.mulf %div3A_64, %mul3A_66 : vector<1024x1024xf32>
    %convert_element_type3A_68 = arith.fptosi %mul3A_67 : vector<1024x1024xf32> to vector<1024x1024xi32>
    %jit3A = arith.constant 0 : i32
    %jit3A_69 = arith.constant 255 : i32
    %max3A = vector.broadcast %jit3A : i32 to vector<1024x1024xi32>
    %max3A_70 = arith.maxsi %max3A, %convert_element_type3A_68 : vector<1024x1024xi32>
    %min3A = vector.broadcast %jit3A_69 : i32 to vector<1024x1024xi32>
    %min3A_71 = arith.minsi %min3A, %max3A_70 : vector<1024x1024xi32>
    %div3A_72 = arith.constant 1.000000e+02 : f32
    %div3A_73 = vector.broadcast %div3A_72 : f32 to vector<1024x1024xf32>
    %div3A_74 = arith.divf %mul3A_61, %div3A_73 : vector<1024x1024xf32>
    %mul3A_75 = arith.constant 2.560000e+02 : f32
    %mul3A_76 = vector.broadcast %mul3A_75 : f32 to vector<1024x1024xf32>
    %mul3A_77 = arith.mulf %div3A_74, %mul3A_76 : vector<1024x1024xf32>
    %convert_element_type3A_78 = arith.fptosi %mul3A_77 : vector<1024x1024xf32> to vector<1024x1024xi32>
    %jit3A_79 = arith.constant 0 : i32
    %jit3A_80 = arith.constant 255 : i32
    %max3A_81 = vector.broadcast %jit3A_79 : i32 to vector<1024x1024xi32>
    %max3A_82 = arith.maxsi %max3A_81, %convert_element_type3A_78 : vector<1024x1024xi32>
    %min3A_83 = vector.broadcast %jit3A_80 : i32 to vector<1024x1024xi32>
    %min3A_84 = arith.minsi %min3A_83, %max3A_82 : vector<1024x1024xi32>
    %mul3A_85 = arith.constant 256 : i32
    %mul3A_86 = vector.broadcast %mul3A_85 : i32 to vector<1024x1024xi32>
    %mul3A_87 = arith.muli %min3A_71, %mul3A_86 : vector<1024x1024xi32>
    %add3A_88 = arith.addi %mul3A_87, %min3A_84 : vector<1024x1024xi32>
    %jit3A_89 = arith.constant 512 : i32
    %eq3A = arith.constant 0 : i32
    %eq3A_90 = arith.cmpi eq, %jit3A_89, %eq3A : i32
    %jit3A_91 = arith.constant 1 : i32
    %select_n3A = arith.select %eq3A_90, %jit3A_91, %jit3A_89 : i32
    %rem3A = vector.broadcast %select_n3A : i32 to vector<1024x1024xi32>
    %rem3A_92 = arith.remsi %iota3A, %rem3A : vector<1024x1024xi32>
    %ne3A_93 = arith.constant 0 : i32
    %ne3A_94 = vector.broadcast %ne3A_93 : i32 to vector<1024x1024xi32>
    %ne3A_95 = arith.cmpi ne, %rem3A_92, %ne3A_94 : vector<1024x1024xi32>
    %lt3A_96 = arith.constant 0 : i32
    %lt3A_97 = vector.broadcast %lt3A_96 : i32 to vector<1024x1024xi32>
    %lt3A_98 = arith.cmpi slt, %rem3A_92, %lt3A_97 : vector<1024x1024xi32>
    %lt3A_99 = arith.constant 0 : i32
    %lt3A_100 = arith.cmpi slt, %select_n3A, %lt3A_99 : i32
    %ne3A_101 = vector.broadcast %lt3A_100 : i1 to vector<1024x1024xi1>
    %ne3A_102 = vector.broadcast %ne3A_101 : vector<1024x1024xi1> to vector<1024x1024xi1>
    %ne3A_103 = arith.xori %lt3A_98, %ne3A_102 : vector<1024x1024xi1>
    %and3A = arith.andi %ne3A_103, %ne3A_95 : vector<1024x1024xi1>
    %add3A_104 = vector.broadcast %select_n3A : i32 to vector<1024x1024xi32>
    %add3A_105 = arith.addi %rem3A_92, %add3A_104 : vector<1024x1024xi32>
    %select_n3A_106 = arith.select %and3A, %add3A_105, %rem3A_92 : vector<1024x1024xi1>, vector<1024x1024xi32>
    %jit3A_107 = arith.constant 32 : i32
    %div3A_108 = vector.broadcast %jit3A_107 : i32 to vector<1024x1024xi32>
    %div3A_109 = arith.divsi %select_n3A_106, %div3A_108 : vector<1024x1024xi32>
    %sign3A = arith.constant 0 : i32
    %sign3A_110 = vector.broadcast %sign3A : i32 to vector<1024x1024xi32>
    %sign3A_111 = arith.cmpi sgt, %select_n3A_106, %sign3A_110 : vector<1024x1024xi32>
    %sign3A_112 = arith.extui %sign3A_111 : vector<1024x1024xi1> to vector<1024x1024xi32>
    %sign3A_113 = arith.constant 0 : i32
    %sign3A_114 = vector.broadcast %sign3A_113 : i32 to vector<1024x1024xi32>
    %sign3A_115 = arith.cmpi slt, %select_n3A_106, %sign3A_114 : vector<1024x1024xi32>
    %sign3A_116 = arith.extui %sign3A_115 : vector<1024x1024xi1> to vector<1024x1024xi32>
    %sign3A_117 = arith.subi %sign3A_112, %sign3A_116 : vector<1024x1024xi32>
    %sign3A_118 = arith.constant 0 : i32
    %sign3A_119 = arith.cmpi sgt, %jit3A_107, %sign3A_118 : i32
    %sign3A_120 = arith.extui %sign3A_119 : i1 to i32
    %sign3A_121 = arith.constant 0 : i32
    %sign3A_122 = arith.cmpi slt, %jit3A_107, %sign3A_121 : i32
    %sign3A_123 = arith.extui %sign3A_122 : i1 to i32
    %sign3A_124 = arith.subi %sign3A_120, %sign3A_123 : i32
    %ne3A_125 = vector.broadcast %sign3A_124 : i32 to vector<1024x1024xi32>
    %ne3A_126 = arith.cmpi ne, %sign3A_117, %ne3A_125 : vector<1024x1024xi32>
    %rem3A_127 = vector.broadcast %jit3A_107 : i32 to vector<1024x1024xi32>
    %rem3A_128 = arith.remsi %select_n3A_106, %rem3A_127 : vector<1024x1024xi32>
    %ne3A_129 = arith.constant 0 : i32
    %ne3A_130 = vector.broadcast %ne3A_129 : i32 to vector<1024x1024xi32>
    %ne3A_131 = arith.cmpi ne, %rem3A_128, %ne3A_130 : vector<1024x1024xi32>
    %and3A_132 = arith.andi %ne3A_126, %ne3A_131 : vector<1024x1024xi1>
    %sub3A_133 = arith.constant 1 : i32
    %sub3A_134 = vector.broadcast %sub3A_133 : i32 to vector<1024x1024xi32>
    %sub3A_135 = arith.subi %div3A_109, %sub3A_134 : vector<1024x1024xi32>
    %select_n3A_136 = arith.select %and3A_132, %sub3A_135, %div3A_109 : vector<1024x1024xi1>, vector<1024x1024xi32>
    %mul3A_137 = arith.constant 65536 : i32
    %mul3A_138 = vector.broadcast %mul3A_137 : i32 to vector<1024x1024xi32>
    %mul3A_139 = arith.muli %select_n3A_136, %mul3A_138 : vector<1024x1024xi32>
    %add3A_140 = arith.addi %add3A_88, %mul3A_139 : vector<1024x1024xi32>
    %swap3A_141 = arith.constant 0 : index
    %swap3A_142 = arith.constant 0 : index
    %swap3A_143 = vector.load %arg6[%swap3A_141, %swap3A_142] : memref<1024x1024xi32, #tpu.memory_space<vmem>>, vector<1024x1024xi32>
    tpu.vector_store %arg6[%swap3A_141, %swap3A_142], %add3A_140 {strides = array<i32>} : memref<1024x1024xi32, #tpu.memory_space<vmem>>, vector<1024x1024xi32>,
    return
  }
}

module attributes {stable_mosaic.version = 14 : i64} {
  func.func @_scatter_body(%arg0: i32, %arg1: memref<1024x1xf32, #tpu.memory_space<vmem>>, %arg2: memref<1024x1xf32, #tpu.memory_space<vmem>>, %arg3: memref<1024x64xf32, #tpu.memory_space<vmem>>, %arg4: memref<256x512xf32, #tpu.memory_space<vmem>>, %arg5: memref<256x1024xf32, #tpu.memory_space<vmem>>, %arg6: memref<256x512xf32, #tpu.memory_space<vmem>>, %arg7: memref<256x1024xf32, #tpu.memory_space<vmem>>) attributes {dimension_semantics = [#tpu.dimension_semantics<arbitrary>], iteration_bounds = array<i64: 8>, scalar_prefetch = 0 : i64, scratch_operands = 0 : i64, tpu.core_type = #tpu.core_type<tc>, window_params = [{pipeline_mode = #tpu.pipeline_mode<synchronous>, transform_indices = @transform_0, window_bounds = array<i64: 1024, 1>}, {pipeline_mode = #tpu.pipeline_mode<synchronous>, transform_indices = @transform_1, window_bounds = array<i64: 1024, 1>}, {pipeline_mode = #tpu.pipeline_mode<synchronous>, transform_indices = @transform_2, window_bounds = array<i64: 1024, 64>}, {transform_indices = @transform_3, window_bounds = array<i64: 256, 512>}, {transform_indices = @transform_4, window_bounds = array<i64: 256, 1024>}, {transform_indices = @transform_5, window_bounds = array<i64: 256, 512>}, {transform_indices = @transform_6, window_bounds = array<i64: 256, 1024>}]} {
    %get3A = arith.constant 0 : index
    %get3A_0 = arith.constant 0 : index
    %get3A_1 = vector.load %arg1[%get3A, %get3A_0] : memref<1024x1xf32, #tpu.memory_space<vmem>>, vector<1024x1xf32>
    %get3A_2 = arith.constant 0 : index
    %get3A_3 = arith.constant 0 : index
    %get3A_4 = vector.load %arg2[%get3A_2, %get3A_3] : memref<1024x1xf32, #tpu.memory_space<vmem>>, vector<1024x1xf32>
    %get3A_5 = arith.constant 0 : index
    %get3A_6 = arith.constant 0 : index
    %get3A_7 = vector.load %arg3[%get3A_5, %get3A_6] : memref<1024x64xf32, #tpu.memory_space<vmem>>, vector<1024x64xf32>
    %div3A = arith.constant 1.000000e+02 : f32
    %div3A_8 = vector.broadcast %div3A : f32 to vector<1024x1xf32>
    %div3A_9 = arith.divf %get3A_1, %div3A_8 : vector<1024x1xf32>
    %mul3A = arith.constant 2.560000e+02 : f32
    %mul3A_10 = vector.broadcast %mul3A : f32 to vector<1024x1xf32>
    %mul3A_11 = arith.mulf %div3A_9, %mul3A_10 : vector<1024x1xf32>
    %convert_element_type3A = arith.fptosi %mul3A_11 : vector<1024x1xf32> to vector<1024x1xi32>
    %jit3A = arith.constant 0 : i32
    %jit3A_12 = arith.constant 255 : i32
    %max3A = vector.broadcast %jit3A : i32 to vector<1024x1xi32>
    %max3A_13 = arith.maxsi %max3A, %convert_element_type3A : vector<1024x1xi32>
    %min3A = vector.broadcast %jit3A_12 : i32 to vector<1024x1xi32>
    %min3A_14 = arith.minsi %min3A, %max3A_13 : vector<1024x1xi32>
    %div3A_15 = arith.constant 1.000000e+02 : f32
    %div3A_16 = vector.broadcast %div3A_15 : f32 to vector<1024x1xf32>
    %div3A_17 = arith.divf %get3A_4, %div3A_16 : vector<1024x1xf32>
    %mul3A_18 = arith.constant 2.560000e+02 : f32
    %mul3A_19 = vector.broadcast %mul3A_18 : f32 to vector<1024x1xf32>
    %mul3A_20 = arith.mulf %div3A_17, %mul3A_19 : vector<1024x1xf32>
    %convert_element_type3A_21 = arith.fptosi %mul3A_20 : vector<1024x1xf32> to vector<1024x1xi32>
    %jit3A_22 = arith.constant 0 : i32
    %jit3A_23 = arith.constant 255 : i32
    %max3A_24 = vector.broadcast %jit3A_22 : i32 to vector<1024x1xi32>
    %max3A_25 = arith.maxsi %max3A_24, %convert_element_type3A_21 : vector<1024x1xi32>
    %min3A_26 = vector.broadcast %jit3A_23 : i32 to vector<1024x1xi32>
    %min3A_27 = arith.minsi %min3A_26, %max3A_25 : vector<1024x1xi32>
    %iota3A = tpu.iota {dimensions = array<i32: 1>} : vector<1x256xi32>
    %eq3A = vector.broadcast %min3A_14 : vector<1024x1xi32> to vector<1024x256xi32>
    %eq3A_28 = vector.broadcast %iota3A : vector<1x256xi32> to vector<1024x256xi32>
    %eq3A_29 = arith.cmpi eq, %eq3A, %eq3A_28 : vector<1024x256xi32>
    %convert_element_type3A_30 = arith.extui %eq3A_29 : vector<1024x256xi1> to vector<1024x256xi32>
    %convert_element_type3A_31 = arith.sitofp %convert_element_type3A_30 : vector<1024x256xi32> to vector<1024x256xf32>
    %iota3A_32 = tpu.iota {dimensions = array<i32: 1>} : vector<1x512xi32>
    %mul3A_33 = arith.constant 32 : i32
    %mul3A_34 = arith.muli %arg0, %mul3A_33 : i32
    %jit3A_35 = arith.constant 16 : i32
    %div3A_36 = vector.broadcast %jit3A_35 : i32 to vector<1x512xi32>
    %div3A_37 = arith.divsi %iota3A_32, %div3A_36 : vector<1x512xi32>
    %sign3A = arith.constant 0 : i32
    %sign3A_38 = vector.broadcast %sign3A : i32 to vector<1x512xi32>
    %sign3A_39 = arith.cmpi sgt, %iota3A_32, %sign3A_38 : vector<1x512xi32>
    %sign3A_40 = arith.extui %sign3A_39 : vector<1x512xi1> to vector<1x512xi32>
    %sign3A_41 = arith.constant 0 : i32
    %sign3A_42 = vector.broadcast %sign3A_41 : i32 to vector<1x512xi32>
    %sign3A_43 = arith.cmpi slt, %iota3A_32, %sign3A_42 : vector<1x512xi32>
    %sign3A_44 = arith.extui %sign3A_43 : vector<1x512xi1> to vector<1x512xi32>
    %sign3A_45 = arith.subi %sign3A_40, %sign3A_44 : vector<1x512xi32>
    %sign3A_46 = arith.constant 0 : i32
    %sign3A_47 = arith.cmpi sgt, %jit3A_35, %sign3A_46 : i32
    %sign3A_48 = arith.extui %sign3A_47 : i1 to i32
    %sign3A_49 = arith.constant 0 : i32
    %sign3A_50 = arith.cmpi slt, %jit3A_35, %sign3A_49 : i32
    %sign3A_51 = arith.extui %sign3A_50 : i1 to i32
    %sign3A_52 = arith.subi %sign3A_48, %sign3A_51 : i32
    %ne3A = vector.broadcast %sign3A_52 : i32 to vector<1x512xi32>
    %ne3A_53 = arith.cmpi ne, %sign3A_45, %ne3A : vector<1x512xi32>
    %rem3A = vector.broadcast %jit3A_35 : i32 to vector<1x512xi32>
    %rem3A_54 = arith.remsi %iota3A_32, %rem3A : vector<1x512xi32>
    %ne3A_55 = arith.constant 0 : i32
    %ne3A_56 = vector.broadcast %ne3A_55 : i32 to vector<1x512xi32>
    %ne3A_57 = arith.cmpi ne, %rem3A_54, %ne3A_56 : vector<1x512xi32>
    %and3A = arith.andi %ne3A_53, %ne3A_57 : vector<1x512xi1>
    %sub3A = arith.constant 1 : i32
    %sub3A_58 = vector.broadcast %sub3A : i32 to vector<1x512xi32>
    %sub3A_59 = arith.subi %div3A_37, %sub3A_58 : vector<1x512xi32>
    %select_n3A = arith.select %and3A, %sub3A_59, %div3A_37 : vector<1x512xi1>, vector<1x512xi32>
    %add3A = vector.broadcast %mul3A_34 : i32 to vector<1x512xi32>
    %add3A_60 = arith.addi %add3A, %select_n3A : vector<1x512xi32>
    %eq3A_61 = vector.broadcast %min3A_27 : vector<1024x1xi32> to vector<1024x512xi32>
    %eq3A_62 = vector.broadcast %add3A_60 : vector<1x512xi32> to vector<1024x512xi32>
    %eq3A_63 = arith.cmpi eq, %eq3A_61, %eq3A_62 : vector<1024x512xi32>
    %convert_element_type3A_64 = arith.extui %eq3A_63 : vector<1024x512xi1> to vector<1024x512xi32>
    %convert_element_type3A_65 = arith.sitofp %convert_element_type3A_64 : vector<1024x512xi32> to vector<1024x512xf32>
    %iota3A_66 = tpu.iota {dimensions = array<i32: 0>} : vector<16x1xi32>
    %jit3A_67 = arith.constant 16 : i32
    %eq3A_68 = arith.constant 0 : i32
    %eq3A_69 = arith.cmpi eq, %jit3A_67, %eq3A_68 : i32
    %jit3A_70 = arith.constant 1 : i32
    %select_n3A_71 = arith.select %eq3A_69, %jit3A_70, %jit3A_67 : i32
    %rem3A_72 = vector.broadcast %select_n3A_71 : i32 to vector<1x512xi32>
    %rem3A_73 = arith.remsi %iota3A_32, %rem3A_72 : vector<1x512xi32>
    %ne3A_74 = arith.constant 0 : i32
    %ne3A_75 = vector.broadcast %ne3A_74 : i32 to vector<1x512xi32>
    %ne3A_76 = arith.cmpi ne, %rem3A_73, %ne3A_75 : vector<1x512xi32>
    %lt3A = arith.constant 0 : i32
    %lt3A_77 = vector.broadcast %lt3A : i32 to vector<1x512xi32>
    %lt3A_78 = arith.cmpi slt, %rem3A_73, %lt3A_77 : vector<1x512xi32>
    %lt3A_79 = arith.constant 0 : i32
    %lt3A_80 = arith.cmpi slt, %select_n3A_71, %lt3A_79 : i32
    %ne3A_81 = vector.broadcast %lt3A_80 : i1 to vector<1x512xi1>
    %ne3A_82 = vector.broadcast %ne3A_81 : vector<1x512xi1> to vector<1x512xi1>
    %ne3A_83 = arith.xori %lt3A_78, %ne3A_82 : vector<1x512xi1>
    %and3A_84 = arith.andi %ne3A_83, %ne3A_76 : vector<1x512xi1>
    %add3A_85 = vector.broadcast %select_n3A_71 : i32 to vector<1x512xi32>
    %add3A_86 = arith.addi %rem3A_73, %add3A_85 : vector<1x512xi32>
    %select_n3A_87 = arith.select %and3A_84, %add3A_86, %rem3A_73 : vector<1x512xi1>, vector<1x512xi32>
    %eq3A_88 = vector.broadcast %iota3A_66 : vector<16x1xi32> to vector<16x512xi32>
    %eq3A_89 = vector.broadcast %select_n3A_87 : vector<1x512xi32> to vector<16x512xi32>
    %eq3A_90 = arith.cmpi eq, %eq3A_88, %eq3A_89 : vector<16x512xi32>
    %convert_element_type3A_91 = arith.extui %eq3A_90 : vector<16x512xi1> to vector<16x512xi32>
    %convert_element_type3A_92 = arith.sitofp %convert_element_type3A_91 : vector<16x512xi32> to vector<16x512xf32>
    %convert_element_type3A_93 = arith.truncf %convert_element_type3A_31 : vector<1024x256xf32> to vector<1024x256xbf16>
    %slice3A = vector.extract_strided_slice %get3A_7 {offsets = [0, 0], sizes = [1024, 16], strides = [1, 1]} : vector<1024x64xf32> to vector<1024x16xf32>
    %mul3A_94 = arith.constant 1.000000e-01 : f32
    %mul3A_95 = vector.broadcast %mul3A_94 : f32 to vector<1024x16xf32>
    %mul3A_96 = arith.mulf %slice3A, %mul3A_95 : vector<1024x16xf32>
    %dot_general3A = arith.constant dense<0.000000e+00> : vector<1024x512xf32>
    %dot_general3A_97 = tpu.matmul %mul3A_96, %convert_element_type3A_92, %dot_general3A {dimension_numbers = #tpu.dot_dimension_numbers<[1], [0], [0], [1], [0, 0, 1, 1], [], []>, transpose_lhs_hint = false} : vector<1024x16xf32>, vector<16x512xf32>, vector<1024x512xf32> -> vector<1024x512xf32>
    %mul3A_98 = arith.mulf %convert_element_type3A_65, %dot_general3A_97 : vector<1024x512xf32>
    %convert_element_type3A_99 = arith.truncf %mul3A_98 : vector<1024x512xf32> to vector<1024x512xbf16>
    %dot_general3A_100 = arith.constant dense<0.000000e+00> : vector<256x512xf32>
    %dot_general3A_101 = tpu.matmul %convert_element_type3A_93, %convert_element_type3A_99, %dot_general3A_100 {dimension_numbers = #tpu.dot_dimension_numbers<[0], [0], [1], [1], [0, 1, 1, 1], [], []>, transpose_lhs_hint = false} : vector<1024x256xbf16>, vector<1024x512xbf16>, vector<256x512xf32> -> vector<256x512xf32>
    %get3A_102 = arith.constant 0 : index
    %get3A_103 = arith.constant 0 : index
    %get3A_104 = vector.load %arg4[%get3A_102, %get3A_103] : memref<256x512xf32, #tpu.memory_space<vmem>>, vector<256x512xf32>
    %add3A_105 = arith.addf %get3A_104, %dot_general3A_101 : vector<256x512xf32>
    %swap3A = arith.constant 0 : index
    %swap3A_106 = arith.constant 0 : index
    %swap3A_107 = vector.load %arg6[%swap3A, %swap3A_106] : memref<256x512xf32, #tpu.memory_space<vmem>>, vector<256x512xf32>
    tpu.vector_store %arg6[%swap3A, %swap3A_106], %add3A_105 {strides = array<i32>} : memref<256x512xf32, #tpu.memory_space<vmem>>, vector<256x512xf32>,
    %iota3A_108 = tpu.iota {dimensions = array<i32: 1>} : vector<1x1024xi32>
    %mul3A_109 = arith.constant 32 : i32
    %mul3A_110 = arith.muli %arg0, %mul3A_109 : i32
    %jit3A_111 = arith.constant 32 : i32
    %div3A_112 = vector.broadcast %jit3A_111 : i32 to vector<1x1024xi32>
    %div3A_113 = arith.divsi %iota3A_108, %div3A_112 : vector<1x1024xi32>
    %sign3A_114 = arith.constant 0 : i32
    %sign3A_115 = vector.broadcast %sign3A_114 : i32 to vector<1x1024xi32>
    %sign3A_116 = arith.cmpi sgt, %iota3A_108, %sign3A_115 : vector<1x1024xi32>
    %sign3A_117 = arith.extui %sign3A_116 : vector<1x1024xi1> to vector<1x1024xi32>
    %sign3A_118 = arith.constant 0 : i32
    %sign3A_119 = vector.broadcast %sign3A_118 : i32 to vector<1x1024xi32>
    %sign3A_120 = arith.cmpi slt, %iota3A_108, %sign3A_119 : vector<1x1024xi32>
    %sign3A_121 = arith.extui %sign3A_120 : vector<1x1024xi1> to vector<1x1024xi32>
    %sign3A_122 = arith.subi %sign3A_117, %sign3A_121 : vector<1x1024xi32>
    %sign3A_123 = arith.constant 0 : i32
    %sign3A_124 = arith.cmpi sgt, %jit3A_111, %sign3A_123 : i32
    %sign3A_125 = arith.extui %sign3A_124 : i1 to i32
    %sign3A_126 = arith.constant 0 : i32
    %sign3A_127 = arith.cmpi slt, %jit3A_111, %sign3A_126 : i32
    %sign3A_128 = arith.extui %sign3A_127 : i1 to i32
    %sign3A_129 = arith.subi %sign3A_125, %sign3A_128 : i32
    %ne3A_130 = vector.broadcast %sign3A_129 : i32 to vector<1x1024xi32>
    %ne3A_131 = arith.cmpi ne, %sign3A_122, %ne3A_130 : vector<1x1024xi32>
    %rem3A_132 = vector.broadcast %jit3A_111 : i32 to vector<1x1024xi32>
    %rem3A_133 = arith.remsi %iota3A_108, %rem3A_132 : vector<1x1024xi32>
    %ne3A_134 = arith.constant 0 : i32
    %ne3A_135 = vector.broadcast %ne3A_134 : i32 to vector<1x1024xi32>
    %ne3A_136 = arith.cmpi ne, %rem3A_133, %ne3A_135 : vector<1x1024xi32>
    %and3A_137 = arith.andi %ne3A_131, %ne3A_136 : vector<1x1024xi1>
    %sub3A_138 = arith.constant 1 : i32
    %sub3A_139 = vector.broadcast %sub3A_138 : i32 to vector<1x1024xi32>
    %sub3A_140 = arith.subi %div3A_113, %sub3A_139 : vector<1x1024xi32>
    %select_n3A_141 = arith.select %and3A_137, %sub3A_140, %div3A_113 : vector<1x1024xi1>, vector<1x1024xi32>
    %add3A_142 = vector.broadcast %mul3A_110 : i32 to vector<1x1024xi32>
    %add3A_143 = arith.addi %add3A_142, %select_n3A_141 : vector<1x1024xi32>
    %eq3A_144 = vector.broadcast %min3A_27 : vector<1024x1xi32> to vector<1024x1024xi32>
    %eq3A_145 = vector.broadcast %add3A_143 : vector<1x1024xi32> to vector<1024x1024xi32>
    %eq3A_146 = arith.cmpi eq, %eq3A_144, %eq3A_145 : vector<1024x1024xi32>
    %convert_element_type3A_147 = arith.extui %eq3A_146 : vector<1024x1024xi1> to vector<1024x1024xi32>
    %convert_element_type3A_148 = arith.sitofp %convert_element_type3A_147 : vector<1024x1024xi32> to vector<1024x1024xf32>
    %iota3A_149 = tpu.iota {dimensions = array<i32: 0>} : vector<32x1xi32>
    %jit3A_150 = arith.constant 32 : i32
    %eq3A_151 = arith.constant 0 : i32
    %eq3A_152 = arith.cmpi eq, %jit3A_150, %eq3A_151 : i32
    %jit3A_153 = arith.constant 1 : i32
    %select_n3A_154 = arith.select %eq3A_152, %jit3A_153, %jit3A_150 : i32
    %rem3A_155 = vector.broadcast %select_n3A_154 : i32 to vector<1x1024xi32>
    %rem3A_156 = arith.remsi %iota3A_108, %rem3A_155 : vector<1x1024xi32>
    %ne3A_157 = arith.constant 0 : i32
    %ne3A_158 = vector.broadcast %ne3A_157 : i32 to vector<1x1024xi32>
    %ne3A_159 = arith.cmpi ne, %rem3A_156, %ne3A_158 : vector<1x1024xi32>
    %lt3A_160 = arith.constant 0 : i32
    %lt3A_161 = vector.broadcast %lt3A_160 : i32 to vector<1x1024xi32>
    %lt3A_162 = arith.cmpi slt, %rem3A_156, %lt3A_161 : vector<1x1024xi32>
    %lt3A_163 = arith.constant 0 : i32
    %lt3A_164 = arith.cmpi slt, %select_n3A_154, %lt3A_163 : i32
    %ne3A_165 = vector.broadcast %lt3A_164 : i1 to vector<1x1024xi1>
    %ne3A_166 = vector.broadcast %ne3A_165 : vector<1x1024xi1> to vector<1x1024xi1>
    %ne3A_167 = arith.xori %lt3A_162, %ne3A_166 : vector<1x1024xi1>
    %and3A_168 = arith.andi %ne3A_167, %ne3A_159 : vector<1x1024xi1>
    %add3A_169 = vector.broadcast %select_n3A_154 : i32 to vector<1x1024xi32>
    %add3A_170 = arith.addi %rem3A_156, %add3A_169 : vector<1x1024xi32>
    %select_n3A_171 = arith.select %and3A_168, %add3A_170, %rem3A_156 : vector<1x1024xi1>, vector<1x1024xi32>
    %eq3A_172 = vector.broadcast %iota3A_149 : vector<32x1xi32> to vector<32x1024xi32>
    %eq3A_173 = vector.broadcast %select_n3A_171 : vector<1x1024xi32> to vector<32x1024xi32>
    %eq3A_174 = arith.cmpi eq, %eq3A_172, %eq3A_173 : vector<32x1024xi32>
    %convert_element_type3A_175 = arith.extui %eq3A_174 : vector<32x1024xi1> to vector<32x1024xi32>
    %convert_element_type3A_176 = arith.sitofp %convert_element_type3A_175 : vector<32x1024xi32> to vector<32x1024xf32>
    %slice3A_177 = vector.extract_strided_slice %get3A_7 {offsets = [0, 0], sizes = [1024, 32], strides = [1, 1]} : vector<1024x64xf32> to vector<1024x32xf32>
    %mul3A_178 = arith.constant 0.00999999977 : f32
    %mul3A_179 = vector.broadcast %mul3A_178 : f32 to vector<1024x32xf32>
    %mul3A_180 = arith.mulf %slice3A_177, %mul3A_179 : vector<1024x32xf32>
    %dot_general3A_181 = arith.constant dense<0.000000e+00> : vector<1024x1024xf32>
    %dot_general3A_182 = tpu.matmul %mul3A_180, %convert_element_type3A_176, %dot_general3A_181 {dimension_numbers = #tpu.dot_dimension_numbers<[1], [0], [0], [1], [0, 0, 1, 1], [], []>, transpose_lhs_hint = false} : vector<1024x32xf32>, vector<32x1024xf32>, vector<1024x1024xf32> -> vector<1024x1024xf32>
    %mul3A_183 = arith.mulf %convert_element_type3A_148, %dot_general3A_182 : vector<1024x1024xf32>
    %convert_element_type3A_184 = arith.truncf %mul3A_183 : vector<1024x1024xf32> to vector<1024x1024xbf16>
    %dot_general3A_185 = arith.constant dense<0.000000e+00> : vector<256x1024xf32>
    %dot_general3A_186 = tpu.matmul %convert_element_type3A_93, %convert_element_type3A_184, %dot_general3A_185 {dimension_numbers = #tpu.dot_dimension_numbers<[0], [0], [1], [1], [0, 1, 1, 1], [], []>, transpose_lhs_hint = false} : vector<1024x256xbf16>, vector<1024x1024xbf16>, vector<256x1024xf32> -> vector<256x1024xf32>
    %get3A_187 = arith.constant 0 : index
    %get3A_188 = arith.constant 0 : index
    %get3A_189 = vector.load %arg5[%get3A_187, %get3A_188] : memref<256x1024xf32, #tpu.memory_space<vmem>>, vector<256x1024xf32>
    %add3A_190 = arith.addf %get3A_189, %dot_general3A_186 : vector<256x1024xf32>
    %mul3A_191 = arith.constant 0.999899983 : f32
    %mul3A_192 = vector.broadcast %mul3A_191 : f32 to vector<256x1024xf32>
    %mul3A_193 = arith.mulf %add3A_190, %mul3A_192 : vector<256x1024xf32>
    %swap3A_194 = arith.constant 0 : index
    %swap3A_195 = arith.constant 0 : index
    %swap3A_196 = vector.load %arg7[%swap3A_194, %swap3A_195] : memref<256x1024xf32, #tpu.memory_space<vmem>>, vector<256x1024xf32>
    tpu.vector_store %arg7[%swap3A_194, %swap3A_195], %mul3A_193 {strides = array<i32>} : memref<256x1024xf32, #tpu.memory_space<vmem>>, vector<256x1024xf32>,
    return
  }
  func.func @transform_0(%arg0: i32) -> (i32, i32) {
    %c0_i32 = arith.constant 0 : i32
    %c0_i32_0 = arith.constant 0 : i32
    %c0_i32_1 = arith.constant 0 : i32
    return %c0_i32, %c0_i32_0 : i32, i32
  }
  func.func @transform_1(%arg0: i32) -> (i32, i32) {
    %c0_i32 = arith.constant 0 : i32
    %c0_i32_0 = arith.constant 0 : i32
    %c0_i32_1 = arith.constant 0 : i32
    return %c0_i32, %c0_i32_0 : i32, i32
  }
  func.func @transform_2(%arg0: i32) -> (i32, i32) {
    %c0_i32 = arith.constant 0 : i32
    %c0_i32_0 = arith.constant 0 : i32
    %c0_i32_1 = arith.constant 0 : i32
    return %c0_i32, %c0_i32_0 : i32, i32
  }
  func.func @transform_3(%arg0: i32) -> (i32, i32) {
    %c0_i32 = arith.constant 0 : i32
    %c0_i32_0 = arith.constant 0 : i32
    return %c0_i32, %arg0 : i32, i32
  }
  func.func @transform_4(%arg0: i32) -> (i32, i32) {
    %c0_i32 = arith.constant 0 : i32
    %c0_i32_0 = arith.constant 0 : i32
    return %c0_i32, %arg0 : i32, i32
  }
  func.func @transform_5(%arg0: i32) -> (i32, i32) {
    %c0_i32 = arith.constant 0 : i32
    %c0_i32_0 = arith.constant 0 : i32
    return %c0_i32, %arg0 : i32, i32
  }
  func.func @transform_6(%arg0: i32) -> (i32, i32) {
    %c0_i32 = arith.constant 0 : i32
    %c0_i32_0 = arith.constant 0 : i32
    return %c0_i32, %arg0 : i32, i32
  }
}

module attributes {stable_mosaic.version = 14 : i64} {
  func.func @_reduce_body(%arg0: memref<32x65536xf32, #tpu.memory_space<vmem>>, %arg1: memref<1x65536xf32, #tpu.memory_space<vmem>>) attributes {dimension_semantics = [], scalar_prefetch = 0 : i64, scratch_operands = 0 : i64, tpu.core_type = #tpu.core_type<tc>} {
    %get3A = arith.constant 0 : index
    %get3A_0 = arith.constant 0 : index
    %get3A_1 = vector.load %arg0[%get3A, %get3A_0] : memref<32x65536xf32, #tpu.memory_space<vmem>>, vector<32x65536xf32>
    %reduce_sum3A = arith.constant dense<0.000000e+00> : vector<65536xf32>
    %reduce_sum3A_2 = vector.multi_reduction <add>, %get3A_1, %reduce_sum3A [0] : vector<32x65536xf32> to vector<65536xf32>
    %broadcast_in_dim3A = vector.shape_cast %reduce_sum3A_2 : vector<65536xf32> to vector<1x65536xf32>
    %swap3A = arith.constant 0 : index
    %swap3A_3 = arith.constant 0 : index
    %swap3A_4 = vector.load %arg1[%swap3A, %swap3A_3] : memref<1x65536xf32, #tpu.memory_space<vmem>>, vector<1x65536xf32>
    tpu.vector_store %arg1[%swap3A, %swap3A_3], %broadcast_in_dim3A {strides = array<i32>} : memref<1x65536xf32, #tpu.memory_space<vmem>>, vector<1x65536xf32>,
    return
  }
}

module attributes {stable_mosaic.version = 14 : i64} {
  func.func @_diffuse_body(%arg0: memref<256x4096xf32, #tpu.memory_space<vmem>>, %arg1: memref<256x4096xf32, #tpu.memory_space<vmem>>, %arg2: memref<256x256xf32, #tpu.memory_space<vmem>>, %arg3: memref<256x4096xf32, #tpu.memory_space<vmem>>, %arg4: memref<256x4096xf32, #tpu.memory_space<vmem>>) attributes {dimension_semantics = [], scalar_prefetch = 0 : i64, scratch_operands = 0 : i64, tpu.core_type = #tpu.core_type<tc>} {
    %get3A = arith.constant 0 : index
    %get3A_0 = arith.constant 0 : index
    %get3A_1 = vector.load %arg0[%get3A, %get3A_0] : memref<256x4096xf32, #tpu.memory_space<vmem>>, vector<256x4096xf32>
    %get3A_2 = arith.constant 0 : index
    %get3A_3 = arith.constant 0 : index
    %get3A_4 = vector.load %arg2[%get3A_2, %get3A_3] : memref<256x256xf32, #tpu.memory_space<vmem>>, vector<256x256xf32>
    %iota3A = tpu.iota {dimensions = array<i32: 0>} : vector<256x1xi32>
    %iota3A_5 = tpu.iota {dimensions = array<i32: 1>} : vector<1x4096xi32>
    %jit3A = arith.constant 16 : i32
    %div3A = vector.broadcast %jit3A : i32 to vector<1x4096xi32>
    %div3A_6 = arith.divsi %iota3A_5, %div3A : vector<1x4096xi32>
    %sign3A = arith.constant 0 : i32
    %sign3A_7 = vector.broadcast %sign3A : i32 to vector<1x4096xi32>
    %sign3A_8 = arith.cmpi sgt, %iota3A_5, %sign3A_7 : vector<1x4096xi32>
    %sign3A_9 = arith.extui %sign3A_8 : vector<1x4096xi1> to vector<1x4096xi32>
    %sign3A_10 = arith.constant 0 : i32
    %sign3A_11 = vector.broadcast %sign3A_10 : i32 to vector<1x4096xi32>
    %sign3A_12 = arith.cmpi slt, %iota3A_5, %sign3A_11 : vector<1x4096xi32>
    %sign3A_13 = arith.extui %sign3A_12 : vector<1x4096xi1> to vector<1x4096xi32>
    %sign3A_14 = arith.subi %sign3A_9, %sign3A_13 : vector<1x4096xi32>
    %sign3A_15 = arith.constant 0 : i32
    %sign3A_16 = arith.cmpi sgt, %jit3A, %sign3A_15 : i32
    %sign3A_17 = arith.extui %sign3A_16 : i1 to i32
    %sign3A_18 = arith.constant 0 : i32
    %sign3A_19 = arith.cmpi slt, %jit3A, %sign3A_18 : i32
    %sign3A_20 = arith.extui %sign3A_19 : i1 to i32
    %sign3A_21 = arith.subi %sign3A_17, %sign3A_20 : i32
    %ne3A = vector.broadcast %sign3A_21 : i32 to vector<1x4096xi32>
    %ne3A_22 = arith.cmpi ne, %sign3A_14, %ne3A : vector<1x4096xi32>
    %rem3A = vector.broadcast %jit3A : i32 to vector<1x4096xi32>
    %rem3A_23 = arith.remsi %iota3A_5, %rem3A : vector<1x4096xi32>
    %ne3A_24 = arith.constant 0 : i32
    %ne3A_25 = vector.broadcast %ne3A_24 : i32 to vector<1x4096xi32>
    %ne3A_26 = arith.cmpi ne, %rem3A_23, %ne3A_25 : vector<1x4096xi32>
    %and3A = arith.andi %ne3A_22, %ne3A_26 : vector<1x4096xi1>
    %sub3A = arith.constant 1 : i32
    %sub3A_27 = vector.broadcast %sub3A : i32 to vector<1x4096xi32>
    %sub3A_28 = arith.subi %div3A_6, %sub3A_27 : vector<1x4096xi32>
    %select_n3A = arith.select %and3A, %sub3A_28, %div3A_6 : vector<1x4096xi1>, vector<1x4096xi32>
    %eq3A = vector.broadcast %iota3A : vector<256x1xi32> to vector<256x4096xi32>
    %eq3A_29 = vector.broadcast %select_n3A : vector<1x4096xi32> to vector<256x4096xi32>
    %eq3A_30 = arith.cmpi eq, %eq3A, %eq3A_29 : vector<256x4096xi32>
    %convert_element_type3A = arith.extui %eq3A_30 : vector<256x4096xi1> to vector<256x4096xi32>
    %convert_element_type3A_31 = arith.sitofp %convert_element_type3A : vector<256x4096xi32> to vector<256x4096xf32>
    %dot_general3A = arith.constant dense<0.000000e+00> : vector<256x4096xf32>
    %dot_general3A_32 = tpu.matmul %get3A_4, %convert_element_type3A_31, %dot_general3A {dimension_numbers = #tpu.dot_dimension_numbers<[1], [0], [0], [1], [0, 0, 1, 1], [], []>, transpose_lhs_hint = false} : vector<256x256xf32>, vector<256x4096xf32>, vector<256x4096xf32> -> vector<256x4096xf32>
    %get3A_33 = arith.constant 0 : index
    %get3A_34 = arith.constant 0 : index
    %get3A_35 = vector.load %arg1[%get3A_33, %get3A_34] : memref<256x4096xf32, #tpu.memory_space<vmem>>, vector<256x4096xf32>
    %add3A = arith.addf %get3A_35, %dot_general3A_32 : vector<256x4096xf32>
    %slice3A = vector.extract_strided_slice %get3A_1 {offsets = [0, 0], sizes = [1, 4096], strides = [1, 1]} : vector<256x4096xf32> to vector<1x4096xf32>
    %slice3A_36 = vector.extract_strided_slice %get3A_1 {offsets = [0, 0], sizes = [255, 4096], strides = [1, 1]} : vector<256x4096xf32> to vector<255x4096xf32>
    %concatenate3A = tpu.concatenate %slice3A, %slice3A_36 in 0 : vector<1x4096xf32>, vector<255x4096xf32> -> vector<256x4096xf32>
    %slice3A_37 = vector.extract_strided_slice %get3A_1 {offsets = [1, 0], sizes = [255, 4096], strides = [1, 1]} : vector<256x4096xf32> to vector<255x4096xf32>
    %slice3A_38 = vector.extract_strided_slice %get3A_1 {offsets = [255, 0], sizes = [1, 4096], strides = [1, 1]} : vector<256x4096xf32> to vector<1x4096xf32>
    %concatenate3A_39 = tpu.concatenate %slice3A_37, %slice3A_38 in 0 : vector<255x4096xf32>, vector<1x4096xf32> -> vector<256x4096xf32>
    %slice3A_40 = vector.extract_strided_slice %get3A_1 {offsets = [0, 0], sizes = [256, 16], strides = [1, 1]} : vector<256x4096xf32> to vector<256x16xf32>
    %slice3A_41 = vector.extract_strided_slice %get3A_1 {offsets = [0, 0], sizes = [256, 4080], strides = [1, 1]} : vector<256x4096xf32> to vector<256x4080xf32>
    %concatenate3A_42 = tpu.concatenate %slice3A_40, %slice3A_41 in 1 : vector<256x16xf32>, vector<256x4080xf32> -> vector<256x4096xf32>
    %slice3A_43 = vector.extract_strided_slice %get3A_1 {offsets = [0, 16], sizes = [256, 4080], strides = [1, 1]} : vector<256x4096xf32> to vector<256x4080xf32>
    %slice3A_44 = vector.extract_strided_slice %get3A_1 {offsets = [0, 4080], sizes = [256, 16], strides = [1, 1]} : vector<256x4096xf32> to vector<256x16xf32>
    %concatenate3A_45 = tpu.concatenate %slice3A_43, %slice3A_44 in 1 : vector<256x4080xf32>, vector<256x16xf32> -> vector<256x4096xf32>
    %add3A_46 = arith.addf %concatenate3A, %concatenate3A_39 : vector<256x4096xf32>
    %add3A_47 = arith.addf %add3A_46, %concatenate3A_42 : vector<256x4096xf32>
    %add3A_48 = arith.addf %add3A_47, %concatenate3A_45 : vector<256x4096xf32>
    %mul3A = arith.constant 4.000000e+00 : f32
    %mul3A_49 = vector.broadcast %mul3A : f32 to vector<256x4096xf32>
    %mul3A_50 = arith.mulf %mul3A_49, %get3A_1 : vector<256x4096xf32>
    %sub3A_51 = arith.subf %add3A_48, %mul3A_50 : vector<256x4096xf32>
    %mul3A_52 = arith.constant 0.00999999977 : f32
    %mul3A_53 = vector.broadcast %mul3A_52 : f32 to vector<256x4096xf32>
    %mul3A_54 = arith.mulf %mul3A_53, %sub3A_51 : vector<256x4096xf32>
    %add3A_55 = arith.addf %get3A_1, %mul3A_54 : vector<256x4096xf32>
    %mul3A_56 = arith.constant 9.990000e-01 : f32
    %mul3A_57 = vector.broadcast %mul3A_56 : f32 to vector<256x4096xf32>
    %mul3A_58 = arith.mulf %add3A_55, %mul3A_57 : vector<256x4096xf32>
    %swap3A = arith.constant 0 : index
    %swap3A_59 = arith.constant 0 : index
    %swap3A_60 = vector.load %arg3[%swap3A, %swap3A_59] : memref<256x4096xf32, #tpu.memory_space<vmem>>, vector<256x4096xf32>
    tpu.vector_store %arg3[%swap3A, %swap3A_59], %mul3A_58 {strides = array<i32>} : memref<256x4096xf32, #tpu.memory_space<vmem>>, vector<256x4096xf32>,
    %slice3A_61 = vector.extract_strided_slice %add3A {offsets = [0, 0], sizes = [1, 4096], strides = [1, 1]} : vector<256x4096xf32> to vector<1x4096xf32>
    %slice3A_62 = vector.extract_strided_slice %add3A {offsets = [0, 0], sizes = [255, 4096], strides = [1, 1]} : vector<256x4096xf32> to vector<255x4096xf32>
    %concatenate3A_63 = tpu.concatenate %slice3A_61, %slice3A_62 in 0 : vector<1x4096xf32>, vector<255x4096xf32> -> vector<256x4096xf32>
    %slice3A_64 = vector.extract_strided_slice %add3A {offsets = [1, 0], sizes = [255, 4096], strides = [1, 1]} : vector<256x4096xf32> to vector<255x4096xf32>
    %slice3A_65 = vector.extract_strided_slice %add3A {offsets = [255, 0], sizes = [1, 4096], strides = [1, 1]} : vector<256x4096xf32> to vector<1x4096xf32>
    %concatenate3A_66 = tpu.concatenate %slice3A_64, %slice3A_65 in 0 : vector<255x4096xf32>, vector<1x4096xf32> -> vector<256x4096xf32>
    %slice3A_67 = vector.extract_strided_slice %add3A {offsets = [0, 0], sizes = [256, 16], strides = [1, 1]} : vector<256x4096xf32> to vector<256x16xf32>
    %slice3A_68 = vector.extract_strided_slice %add3A {offsets = [0, 0], sizes = [256, 4080], strides = [1, 1]} : vector<256x4096xf32> to vector<256x4080xf32>
    %concatenate3A_69 = tpu.concatenate %slice3A_67, %slice3A_68 in 1 : vector<256x16xf32>, vector<256x4080xf32> -> vector<256x4096xf32>
    %slice3A_70 = vector.extract_strided_slice %add3A {offsets = [0, 16], sizes = [256, 4080], strides = [1, 1]} : vector<256x4096xf32> to vector<256x4080xf32>
    %slice3A_71 = vector.extract_strided_slice %add3A {offsets = [0, 4080], sizes = [256, 16], strides = [1, 1]} : vector<256x4096xf32> to vector<256x16xf32>
    %concatenate3A_72 = tpu.concatenate %slice3A_70, %slice3A_71 in 1 : vector<256x4080xf32>, vector<256x16xf32> -> vector<256x4096xf32>
    %add3A_73 = arith.addf %concatenate3A_63, %concatenate3A_66 : vector<256x4096xf32>
    %add3A_74 = arith.addf %add3A_73, %concatenate3A_69 : vector<256x4096xf32>
    %add3A_75 = arith.addf %add3A_74, %concatenate3A_72 : vector<256x4096xf32>
    %mul3A_76 = arith.constant 4.000000e+00 : f32
    %mul3A_77 = vector.broadcast %mul3A_76 : f32 to vector<256x4096xf32>
    %mul3A_78 = arith.mulf %mul3A_77, %add3A : vector<256x4096xf32>
    %sub3A_79 = arith.subf %add3A_75, %mul3A_78 : vector<256x4096xf32>
    %mul3A_80 = arith.constant 2.000000e-02 : f32
    %mul3A_81 = vector.broadcast %mul3A_80 : f32 to vector<256x4096xf32>
    %mul3A_82 = arith.mulf %mul3A_81, %sub3A_79 : vector<256x4096xf32>
    %add3A_83 = arith.addf %add3A, %mul3A_82 : vector<256x4096xf32>
    %mul3A_84 = arith.constant 0.999499976 : f32
    %mul3A_85 = vector.broadcast %mul3A_84 : f32 to vector<256x4096xf32>
    %mul3A_86 = arith.mulf %add3A_83, %mul3A_85 : vector<256x4096xf32>
    %swap3A_87 = arith.constant 0 : index
    %swap3A_88 = arith.constant 0 : index
    %swap3A_89 = vector.load %arg4[%swap3A_87, %swap3A_88] : memref<256x4096xf32, #tpu.memory_space<vmem>>, vector<256x4096xf32>
    tpu.vector_store %arg4[%swap3A_87, %swap3A_88], %mul3A_86 {strides = array<i32>} : memref<256x4096xf32, #tpu.memory_space<vmem>>, vector<256x4096xf32>,
    return
  }
}

</mosaic_0001>

<sc_bundles>
// kernel: kernel.7.cloned.1.call-start
scs
__scs_entry_jumppad:
0x0: {  	(pc) =	sbr.rel $0x88, $3  }
0x1: {  	(tag) =	ssettag $0x0;
	lr =	simm.s32 $0x1  }
0x2: {  	[smem:$0x3F9C] =	sst lr;
	_ =	strace $0xD0000000  }
0x3: {  	_ = 	snop  }
0x4: {  	_ = 	snop  }
0x5: {  	_ = 	snop  }
0x6: {  	_ = 	snop  }
0x7: {  	_ = 	snop  }
__scs_overlays_trampoline_lowered:
0x8: {  	[smem:$0x3FAB] =	sst s0  }
0x9: {  	[smem:$0x3FAC] =	sst s1  }
0xa: {  	[smem:$0x3FAD] =	sst s2  }
0xb: {  	[smem:$0x3FAE] =	sst s3  }
0xc: {  	[smem:$0x3FAF] =	sst s4  }
0xd: {  	[smem:$0x3FB0] =	sst s5  }
0xe: {  	[smem:$0x3FB1] =	sst s6  }
0xf: {  	[smem:$0x3FB2] =	sst s7  }
0x10: {  	[smem:$0x3FB3] =	sst s8  }
0x11: {  	[smem:$0x3FB4] =	sst s9;
	s0 =	simm.s32 @!p0 $0x0  }
0x12: {  	s1 =	sld [smem:$0x3F9A];
	s0 =	simm.s32 @p0 $0x1  }
0x13: {  	[smem:$0x3FB5] =	sst s0;
	s0 =	simm.s32 @!p1 $0x0  }
0x14: {  	s2 =	sld [smem:$0x3F99];
	s0 =	simm.s32 @p1 $0x1  }
0x15: {  	[smem:$0x3FB6] =	sst s0;
	s0 =	simm.s32 @!p2 $0x0  }
0x16: {  	s3 =	sld [smem:$0x3FDB];
	s0 =	simm.s32 @p2 $0x1  }
0x17: {  	s4 =	simm.s32 $0x1BF5;
	[smem:$0x3FB8] =	sst s0  }
0x18: {  	s0 =	sld [smem:$0x3F9B];
	_ =	swait.ge [sflag:s4], $0x0  }
0x19: {  	s7 =	sld [smem:$0x3F9C]  }
0x1a: {  	s8 =	sadd.s32 $0xFFFFE003, lr  }
0x1b: {  	s9 =	sadd.s32 $0xFFFFFEF7, lr;
	s5 =	simm.s32 $0xFFFFFFFF;
	p2 =	slt.u32 s8, $0xFFFFF086  }
0x1c: {  	p1 =	slt.u32 s9, $0xF7A;
	s5 =	simm.s32 @!p2 $0x0  }
0x1d: {  	s5 =	simm.s32 @p1 $0x1;
	p0 =	seq.s32 s7, s2  }
0x1e: {  	s7 =	smul.u32 @!p0 $0xF7A, s2;
	p2 =	seq.s32 @!p0 s5, $0x0  }
0x1f: {  	s9 =	smul.u32 $0xF7A, s1;
	s8 =	simm.s32 @!p0 $0x1BF5;
	p2 =	por !p2, p0  }
0x20: {  	[sflag:s8] =	ssyncset.s32 @!p0 $0xFFFFF086;
	s6 =	sadd.s32 @!p0 s3, s7;
	s7 =	simm.s32 @!p0 $0x108  }
0x21: {  	s3 =	sadd.s32 s3, s9;
	s6 =	sadd.s32 @!p0 $0x88, s6;
	s7 =	simm.s32 @p2 $0x1082  }
0x22: {  	[simem:s7], [sflag:s8] =	dma.local @!p0 [hbm:s6], $0xF7A  }
0x23: {  	s9 =	sor.u32 $0xD0000000, s2;
	s6 =	simm.s32 $0x108;
	_ =	swait.ge @!p0 [sflag:s8], $0x0  }
0x24: {  	s3 =	sadd.s32 $0x88, s3;
	s6 =	simm.s32 @!p1 $0x1082;
	[sflag:s4] =	ssyncset.s32 $0xFFFFF086  }
0x25: {  	[simem:s6], [sflag:s4] =	dma.local [hbm:s3], $0xF7A  }
0x26: {  	[smem:$0x3F9C] =	sst s1;
	(tag) =	ssettag s2;
	_ =	strace s9  }
0x27: {  	s1 =	sld [smem:$0x3FAC]  }
0x28: {  	s2 =	sld [smem:$0x3FAD]  }
0x29: {  	s4 =	sld [smem:$0x3FAF]  }
0x2a: {  	p0 =	seq.s32 s5, $0x0;
	s5 =	sld [smem:$0x3FB0]  }
0x2b: {  	s6 =	sld [smem:$0x3FB1]  }
0x2c: {  	s7 =	sld [smem:$0x3FB2]  }
0x2d: {  	s3 =	simm.s32 $0x108;
	s8 =	sld [smem:$0x3FB3]  }
0x2e: {  	s3 =	simm.s32 @!p0 $0x1082;
	s9 =	sld [smem:$0x3FB4]  }
0x2f: {  	lr =	sadd.s32 s0, s3;
	s0 =	sld [smem:$0x3FAB]  }
0x30: {  	s3 =	sld [smem:$0x3FAE]  }
0x31: {  	[smem:$0x3FB7] =	sst s10  }
0x32: {  	s10 =	sld [smem:$0x3FB5];
	_ =	sdelay $0x3  }
0x33: {  	p0 =	seq.s32 s10, $0x1;
	s10 =	sld [smem:$0x3FB7];
	_ =	sdelay $0x3  }
0x34: {  	[smem:$0x3FB7] =	sst s10  }
0x35: {  	s10 =	sld [smem:$0x3FB6];
	_ =	sdelay $0x3  }
0x36: {  	p1 =	seq.s32 s10, $0x1;
	s10 =	sld [smem:$0x3FB7];
	_ =	sdelay $0x3  }
0x37: {  	[smem:$0x3FB7] =	sst s10  }
0x38: {  	s10 =	sld [smem:$0x3FB8]  }
0x39: {  	_ = 	snop;
	(pc) =	sbr.ind lr, $3  }
0x3a: {  	_ = 	snop  }
0x3b: {  	_ = 	snop  }
0x3c: {  	p2 =	seq.s32 s10, $0x1;
	s10 =	sld [smem:$0x3FB7]  }
0x3d: {  	_ =	shalt  }
0x3e: {  	_ =	shalt  }
0x3f: {  	_ =	shalt  }
0x40: {  	_ =	shalt  }
0x41: {  	_ =	shalt  }
0x42: {  	_ =	shalt  }
0x43: {  	_ =	shalt  }
0x44: {  	_ =	shalt  }
0x45: {  	_ =	shalt  }
0x46: {  	_ =	shalt  }
0x47: {  	_ =	shalt  }
0x48: {  	_ =	shalt  }
0x49: {  	_ =	shalt  }
0x4a: {  	_ =	shalt  }
0x4b: {  	_ =	shalt  }
0x4c: {  	_ =	shalt  }
0x4d: {  	_ =	shalt  }
0x4e: {  	_ =	shalt  }
0x4f: {  	_ =	shalt  }
0x50: {  	_ =	shalt  }
0x51: {  	_ =	shalt  }
0x52: {  	_ =	shalt  }
0x53: {  	_ =	shalt  }
0x54: {  	_ =	shalt  }
0x55: {  	_ =	shalt  }
0x56: {  	_ =	shalt  }
0x57: {  	_ =	shalt  }
0x58: {  	_ =	shalt  }
0x59: {  	_ =	shalt  }
0x5a: {  	_ =	shalt  }
0x5b: {  	_ =	shalt  }
0x5c: {  	_ =	shalt  }
0x5d: {  	_ =	shalt  }
0x5e: {  	_ =	shalt  }
0x5f: {  	_ =	shalt  }
0x60: {  	_ =	shalt  }
0x61: {  	_ =	shalt  }
0x62: {  	_ =	shalt  }
0x63: {  	_ =	shalt  }
0x64: {  	_ =	shalt  }
0x65: {  	_ =	shalt  }
0x66: {  	_ =	shalt  }
0x67: {  	_ =	shalt  }
0x68: {  	_ =	shalt  }
0x69: {  	_ =	shalt  }
0x6a: {  	_ =	shalt  }
0x6b: {  	_ =	shalt  }
0x6c: {  	_ =	shalt  }
0x6d: {  	_ =	shalt  }
0x6e: {  	_ =	shalt  }
0x6f: {  	_ =	shalt  }
0x70: {  	_ =	shalt  }
0x71: {  	_ =	shalt  }
0x72: {  	_ =	shalt  }
0x73: {  	_ =	shalt  }
0x74: {  	_ =	shalt  }
0x75: {  	_ =	shalt  }
0x76: {  	_ =	shalt  }
0x77: {  	_ =	shalt  }
0x78: {  	_ =	shalt  }
0x79: {  	_ =	shalt  }
0x7a: {  	_ =	shalt  }
0x7b: {  	_ =	shalt  }
0x7c: {  	_ =	shalt  }
0x7d: {  	_ =	shalt  }
0x7e: {  	_ =	shalt  }
0x7f: {  	_ =	shalt  }
0x80: {  	_ =	shalt  }
0x81: {  	_ =	shalt  }
0x82: {  	_ =	shalt  }
0x83: {  	_ =	shalt  }
0x84: {  	_ =	shalt  }
0x85: {  	_ =	shalt  }
0x86: {  	_ =	shalt  }
0x87: {  	_ =	shalt  }
.Lfunc_end0:
.L_simem_size_0:
called_computation_lowered:
.L_overlay_start_0:
0x88: {  	s2 =	sld [smem:$0x3FD9]  }
0x89: {  	s3 =	sld [smem:$0x3FFE];
	_ =	sdelay $0x1  }
0x8a: {  	s1 =	srdreg.scid  }
0x8b: {  	s0 =	sand.u32 $0x1, s1  }
0x8c: {  	s14 =	sshll.u32 s0, $0xA;
	s2 =	sadd.s32 s3, s2  }
0x8d: {  	s2 =	sadd.s32 s2, s14  }
0x8e: {  	[smem:$0x3FC3] =	sst s2  }
0x8f: {  	_ = 	snop  }
0x90: {  	s2 =	sld [smem:$0x3FD0];
	_ =	sdelay $0x2  }
0x91: {  	s15 =	simm.s32 $0xA;
	s4 =	simm.s32 $0x10  }
0x92: {  	[smem:s4], [sflag:s15] =	dma.local [hbm:s2], $0x1  }
0x93: {  	_ =	swait.eq [sflag:s15], $0x1  }
0x94: {  	[sflag:s15] =	ssyncset.done $0x0  }
0x95: {  	s16 =	sld [smem:$0x10];
	[sflag:s15] =	ssyncadd.s32 $0xFFFFFFFF  }
0x96: {  	s17 =	sld [smem:$0x11];
	(tm) =	ssettm $0x1  }
0x97: {  	s18 =	sld [smem:$0x3FFB];
	_ =	sdelay $0x3  }
0x98: {  	_ =	strace s18  }
0x99: {  	s4 =	sld [smem:$0x3FFC];
	_ =	sdelay $0x3  }
0x9a: {  	_ =	strace s4  }
0x9b: {  	s4 =	sld [smem:$0x3FFD];
	_ =	sdelay $0x3  }
0x9c: {  	_ =	strace s4  }
0x9d: {  	_ =	strace $0x8FFFFFFF  }
0x9e: {  	s19 =	sld [smem:$0x3FDB];
	_ =	sdelay $0x1  }
0x9f: {  	s5 =	simm.s32 $_scs_section_size  }
0xa0: {  	s6 =	simm.s32 $_size__tile_overlayer_lowered;
	s7 =	simm.s32 $_tile_overlayer_lowered  }
0xa1: {  	s22 =	simm.s32 $0x1BFF;
	s21 =	sshll.u32 s7, $0x1;
	s4 =	sadd.s32 s5, s19  }
0xa2: {  	s8 =	simm.s32 $0x0;
	s20 =	sshll.u32 s6, $0x1;
	s6 =	sadd.s32 s21, s4  }
0xa3: {  	[timem:s8], [sflag:s22] =	dma.local [hbm:s6], s20  }
0xa4: {  	_ =	swait.ge [sflag:s22], s20  }
0xa5: {  	s5 =	ssub.s32 $0x0, s20;
	[sflag:s22] =	ssyncset.done $0x0  }
0xa6: {  	[sflag:s22] =	ssyncadd.s32 s5;
	_ =	sdelay $0x1  }
0xa7: {  	s23 =	simm.s32 $0x1B8B  }
0xa8: {  	_ =	swait.ge [sflag:s23], $0x1  }
0xa9: {  	[sflag:s23] =	ssyncset.done $0x0  }
0xaa: {  	s25 =	simm.s32 $0x1B8E;
	s24 =	sld [smem:$0x3FFE];
	[sflag:s23] =	ssyncadd.s32 $0xFFFFFFFF  }
0xab: {  	s26 =	simm.s32 $execute0_lowered;
	[smem:$0x3FD2] =	sst s25  }
0xac: {  	s6 =	sshll.u32 s26, $0x1;
	_ =	strace $0x80000046;
	[dreg:$0x1] =	wrdreg $0xFFFFFFFF  }
0xad: {  	s28 =	simm.s32 $_size_execute0_lowered;
	s4 =	sadd.s32 s4, s6;
	[dreg:$0x0] =	wrdreg $0x0  }
0xae: {  	s6 =	sshll.u32 s28, $0x1;
	[dreg:$0x2] =	wrdreg s4  }
0xaf: {  	[dreg:$0x3] =	wrdreg s6  }
0xb0: {  	[dreg:$0x4] =	wrdreg $0xC0  }
0xb1: {  	_ =	task [dreg:s8], $0x5FFFF  }
0xb2: {  	[dreg:$0x1] =	wrdreg $0xFFFFFFFF  }
0xb3: {  	[dreg:$0x0] =	wrdreg $0x60  }
0xb4: {  	[dreg:$0x2] =	wrdreg s17  }
0xb5: {  	[dreg:$0x3] =	wrdreg s16  }
0xb6: {  	[dreg:$0x4] =	wrdreg s24  }
0xb7: {  	[dreg:$0x5] =	wrdreg $0x90000  }
0xb8: {  	[dreg:$0x6] =	wrdreg $0x9  }
0xb9: {  	_ =	task.clear_ibuf [dreg:s8], $0x7FFFF;
	_ =	strace $0x90000046  }
0xba: {  	s29 =	simm.s32 $0x9;
	_ =	strace $0x80000048  }
0xbb: {  	_ =	swait.ge [sflag:s29], $0x1  }
0xbc: {  	[sflag:s29] =	ssyncadd.s32 $0xFFFFFFFF  }
0xbd: {  	_ =	strace $0x90000048  }
0xbe: {  	_ =	sfence  }
0xbf: {  	s30 =	sld [smem:$0x0];
	_ =	sdelay $0x2  }
0xc0: {  	s31 =	sshll.u32 s1, $0xD;
	s1 =	sshrl.u32 s1, $0x2  }
0xc1: {  	s3 =	sand.u32 $0x4000, s31;
	s1 =	sadd.s32 s1, s30  }
0xc2: {  	s0 =	sor.u32 s3, s0;
	s1 =	sshll.u32 s1, $0x11  }
0xc3: {  	s0 =	sor.u32 s1, s0  }
0xc4: {  	s0 =	sadd.s32 $0x8F2B, s0  }
0xc5: {  	[sflag:s0] =	ssyncadd.remote.s32 $0x1  }
0xc6: {  	_ =	sfence.sel $0xFFFF  }
0xc7: {  	[dreg:$0x0] =	wrdreg $0xFFFFFFFF;
	(pc) =	sbr.abs _section_cstart, $3  }
0xc8: {  	[dreg:$0x1] =	wrdreg $0xFFFFFFFF  }
0xc9: {  	_ =	task.clear_ibuf [dreg:s8], $0x2FFFF;
	_ =	strace $0x9FFFFFFF  }
0xca: {  	(tm) =	ssettm $0x7FFFFFFF  }
0xcb: {  	_ =	shalt  }
tec
execute0_lowered:
.L_overlay_start_1:
0x0: {  	(tag) =	ssettag $0x1  }
0x1: {  	s0 =	rddreg [dreg:$0x0]  }
0x2: {  	s2 =	rddreg [dreg:$0x1]  }
0x3: {  	s4 =	rddreg [dreg:$0x2]  }
0x4: {  	s1 =	rddreg [dreg:$0x3];
	s3 =	simm.s32 $0x0;
	s5 =	srdreg.scid  }
0x5: {  	s11 =	stileid.u32;
	s28 =	simm.s32 $0x1;
	s29 =	simm.s32 $0x4000  }
0x6: {  	s30 =	simm.s32 $0x80;
	[smem:$0x7FF] =	sst s3;
	s5 =	sand.u32 $0x1, s5  }
0x7: {  	s6 =	sshll.u32 s11, $0x4;
	s22 =	sshll.u32 s11, $0x10;
	_ =	strace $0x80000047  }
0x8: {  	s7 =	ssub.s32 $0x2, s5;
	s6 =	sand.u32 $0x70, s6;
	s5 =	sshll.u32 s5, $0x4  }
0x9: {  	s8 =	sshrl.u32 s7, $0x1;
	s9 =	sadd.s32 s6, s4;
	s21 =	sor.u32 s11, s5  }
0xa: {  	s4 =	sadd.s32 s22, s1;
	s10 =	ssub.s32 s7, s8;
	s23 =	sshll.u32 s21, $0xC  }
0xb: {  	s24 =	sshll.u32 s21, $0xD;
	s11 =	sadd.s32 $0x1000, s4;
	s12 =	sadd.s32 $0x2000, s4  }
0xc: {  	s13 =	sadd.s32 $0x3000, s4;
	s14 =	sadd.s32 $0x4000, s4;
	s15 =	sadd.s32 $0x5000, s4  }
0xd: {  	s16 =	sadd.s32 $0x6000, s4;
	s17 =	sadd.s32 $0x7000, s4;
	s18 =	sadd.s32 $0x8000, s4  }
0xe: {  	s19 =	sadd.s32 $0x9000, s4;
	s20 =	sadd.s32 $0xA000, s4;
	s21 =	sadd.s32 $0xB000, s4  }
0xf: {  	s22 =	sadd.s32 $0xC000, s4;
	s25 =	sadd.s32 s0, s23;
	s26 =	sand.u32 $0x30000, s24  }
0x10: {  	s6 =	sadd.s32 s2, s23;
	s31 =	sor.u32 $0x800, s23;
	s10 =	smax.u32 s10, $0x1  }
0x11: {  	s23 =	sadd.s32 $0xD000, s4;
	s24 =	sadd.s32 $0xE000, s4;
	[dreg:$0x5] =	wrdreg s25  }
0x12: {  	s9 =	sadd.s32 s26, s9;
	s7 =	sadd.s32 s0, s31;
	s8 =	sadd.s32 s2, s31  }
0x13: {  	v0 =	vimm.f32 $0.0e+00;
	s25 =	sadd.s32 $0xF000, s4;
	s26 =	simm.s32 $0x8000;
	s9 =	sadd.s32 $0x1600, s9  }
.LBB2_1:
0x14: {  	s0 =	simm.s32 $0x40;
	s2 =	simm.s32 $0x0  }
.LBB2_2:
0x15: {  	p0 =	sne.s32 s0, $0x3FC0;
	[tilespmem:s2+$0x8000] =	vst v0;
	s2 =	smov.u32 s0;
	s0 =	sadd.s32 $0x40, s0  }
.Ltmp0:
0x16: {  	(pc) =	sbr.rel @p0 .LBB2_2-.Ltmp0, $2  }
0x17: {  	_ =	sdelay $0x2  }
0x18: {  	s2 =	sshra.s32 s2, $0x2  }
0x19: {  	[tilespmem:s2+$0x8000] =	vst v0  }
0x1a: {  	[spmem:s4] =	stream.linear.scatter [tilespmem:s26], [sflag:$0x1], $0x1000, $0x38;
	[tilespmem:$0x19000] =	vst v63  }
0x1b: {  	_ =	swait.ge [sflag:s28], $0x1000  }
0x1c: {  	[sflag:s28] =	ssyncset.done $0x0  }
0x1d: {  	[sflag:s28] =	ssyncadd.s32 $0xFFFFF000  }
0x1e: {  	[spmem:s11] =	stream.linear.scatter [tilespmem:s26], [sflag:$0x1], $0x1000, $0x38;
	[tilespmem:$0x19000] =	vst v63  }
0x1f: {  	_ =	swait.ge [sflag:s28], $0x1000  }
0x20: {  	[sflag:s28] =	ssyncset.done $0x0  }
0x21: {  	[sflag:s28] =	ssyncadd.s32 $0xFFFFF000  }
0x22: {  	[spmem:s12] =	stream.linear.scatter [tilespmem:s26], [sflag:$0x1], $0x1000, $0x38;
	[tilespmem:$0x19000] =	vst v63  }
0x23: {  	_ =	swait.ge [sflag:s28], $0x1000  }
0x24: {  	[sflag:s28] =	ssyncset.done $0x0  }
0x25: {  	[sflag:s28] =	ssyncadd.s32 $0xFFFFF000  }
0x26: {  	[spmem:s13] =	stream.linear.scatter [tilespmem:s26], [sflag:$0x1], $0x1000, $0x38;
	[tilespmem:$0x19000] =	vst v63  }
0x27: {  	_ =	swait.ge [sflag:s28], $0x1000  }
0x28: {  	[sflag:s28] =	ssyncset.done $0x0  }
0x29: {  	[sflag:s28] =	ssyncadd.s32 $0xFFFFF000  }
0x2a: {  	[spmem:s14] =	stream.linear.scatter [tilespmem:s26], [sflag:$0x1], $0x1000, $0x38;
	[tilespmem:$0x19000] =	vst v63  }
0x2b: {  	_ =	swait.ge [sflag:s28], $0x1000  }
0x2c: {  	[sflag:s28] =	ssyncset.done $0x0  }
0x2d: {  	[sflag:s28] =	ssyncadd.s32 $0xFFFFF000  }
0x2e: {  	[spmem:s15] =	stream.linear.scatter [tilespmem:s26], [sflag:$0x1], $0x1000, $0x38;
	[tilespmem:$0x19000] =	vst v63  }
0x2f: {  	_ =	swait.ge [sflag:s28], $0x1000  }
0x30: {  	[sflag:s28] =	ssyncset.done $0x0  }
0x31: {  	[sflag:s28] =	ssyncadd.s32 $0xFFFFF000  }
0x32: {  	[spmem:s16] =	stream.linear.scatter [tilespmem:s26], [sflag:$0x1], $0x1000, $0x38;
	[tilespmem:$0x19000] =	vst v63  }
0x33: {  	_ =	swait.ge [sflag:s28], $0x1000  }
0x34: {  	[sflag:s28] =	ssyncset.done $0x0  }
0x35: {  	[sflag:s28] =	ssyncadd.s32 $0xFFFFF000  }
0x36: {  	[spmem:s17] =	stream.linear.scatter [tilespmem:s26], [sflag:$0x1], $0x1000, $0x38;
	[tilespmem:$0x19000] =	vst v63  }
0x37: {  	_ =	swait.ge [sflag:s28], $0x1000  }
0x38: {  	[sflag:s28] =	ssyncset.done $0x0  }
0x39: {  	[sflag:s28] =	ssyncadd.s32 $0xFFFFF000  }
0x3a: {  	[spmem:s18] =	stream.linear.scatter [tilespmem:s26], [sflag:$0x1], $0x1000, $0x38;
	[tilespmem:$0x19000] =	vst v63  }
0x3b: {  	_ =	swait.ge [sflag:s28], $0x1000  }
0x3c: {  	[sflag:s28] =	ssyncset.done $0x0  }
0x3d: {  	[sflag:s28] =	ssyncadd.s32 $0xFFFFF000  }
0x3e: {  	[spmem:s19] =	stream.linear.scatter [tilespmem:s26], [sflag:$0x1], $0x1000, $0x38;
	[tilespmem:$0x19000] =	vst v63  }
0x3f: {  	_ =	swait.ge [sflag:s28], $0x1000  }
0x40: {  	[sflag:s28] =	ssyncset.done $0x0  }
0x41: {  	[sflag:s28] =	ssyncadd.s32 $0xFFFFF000  }
0x42: {  	[spmem:s20] =	stream.linear.scatter [tilespmem:s26], [sflag:$0x1], $0x1000, $0x38;
	[tilespmem:$0x19000] =	vst v63  }
0x43: {  	_ =	swait.ge [sflag:s28], $0x1000  }
0x44: {  	[sflag:s28] =	ssyncset.done $0x0  }
0x45: {  	[sflag:s28] =	ssyncadd.s32 $0xFFFFF000  }
0x46: {  	[spmem:s21] =	stream.linear.scatter [tilespmem:s26], [sflag:$0x1], $0x1000, $0x38;
	[tilespmem:$0x19000] =	vst v63  }
0x47: {  	_ =	swait.ge [sflag:s28], $0x1000  }
0x48: {  	[sflag:s28] =	ssyncset.done $0x0  }
0x49: {  	[sflag:s28] =	ssyncadd.s32 $0xFFFFF000  }
0x4a: {  	[spmem:s22] =	stream.linear.scatter [tilespmem:s26], [sflag:$0x1], $0x1000, $0x38;
	[tilespmem:$0x19000] =	vst v63  }
0x4b: {  	_ =	swait.ge [sflag:s28], $0x1000  }
0x4c: {  	[sflag:s28] =	ssyncset.done $0x0  }
0x4d: {  	[sflag:s28] =	ssyncadd.s32 $0xFFFFF000  }
0x4e: {  	[spmem:s23] =	stream.linear.scatter [tilespmem:s26], [sflag:$0x1], $0x1000, $0x38;
	[tilespmem:$0x19000] =	vst v63  }
0x4f: {  	_ =	swait.ge [sflag:s28], $0x1000  }
0x50: {  	[sflag:s28] =	ssyncset.done $0x0  }
0x51: {  	[sflag:s28] =	ssyncadd.s32 $0xFFFFF000  }
0x52: {  	[spmem:s24] =	stream.linear.scatter [tilespmem:s26], [sflag:$0x1], $0x1000, $0x38;
	[tilespmem:$0x19000] =	vst v63  }
0x53: {  	_ =	swait.ge [sflag:s28], $0x1000  }
0x54: {  	[sflag:s28] =	ssyncset.done $0x0  }
0x55: {  	[sflag:s28] =	ssyncadd.s32 $0xFFFFF000  }
0x56: {  	[spmem:s25] =	stream.linear.scatter [tilespmem:s26], [sflag:$0x1], $0x1000, $0x38;
	[tilespmem:$0x19000] =	vst v63  }
0x57: {  	_ =	swait.ge [sflag:s28], $0x1000  }
0x58: {  	[sflag:s28] =	ssyncset.done $0x0  }
0x59: {  	s0 =	simm.s32 $0x0;
	s31 =	rddreg [dreg:$0x5];
	[sflag:s28] =	ssyncadd.s32 $0xFFFFF000  }
0x5a: {  	[tilespmem:s0], [sflag:$0x1] =	stream.linear.gather [hbm4b:s31+s0], $0x4000, $0x38;
	[tilespmem:$0x19000] =	vst v63  }
0x5b: {  	_ =	swait.ge [sflag:s28], $0x4000  }
0x5c: {  	[sflag:s28] =	ssyncset.done $0x0  }
0x5d: {  	[sflag:s28] =	ssyncadd.s32 $0xFFFFC000  }
0x5e: {  	[tilespmem:s29], [sflag:$0x1] =	stream.linear.gather [hbm4b:s6+s0], $0x4000, $0x38;
	[tilespmem:$0x19000] =	vst v63  }
0x5f: {  	s5 =	simm.s32 $0x0;
	s0 =	sand.u32 $0x78, s0  }
0x60: {  	_ =	swait.ge [sflag:s28], $0x4000;
	s0 =	sor.u32 s5, s0  }
0x61: {  	[sflag:s28] =	ssyncset.done $0x0;
	s0 =	sshll.u32 s0, $0x7  }
0x62: {  	[sflag:s28] =	ssyncadd.s32 $0xFFFFC000;
	s31 =	sadd.s32 $0x4000, s0  }
0x63: {  	[spmem:s1] =	stream.indirect.scatter.add.f32 [tilespmem:s0], [sflag:$0x1], $0x1, s31, s30, $0xb8;
	[tilespmem:$0x19000] =	vst v63  }
0x64: {  	s2 =	simm.s32 $0x1;
	s0 =	simm.s32 $0x8  }
.LBB2_4:
0x65: {  	s31 =	sand.u32 $0x78, s0;
	s5 =	sshrl.u32 s2, $0x4;
	p0 =	sne.s32 s2, $0x7F  }
.Ltmp1:
0x66: {  	s5 =	sor.u32 s5, s31;
	(pc) =	sbr.rel @p0 .LBB2_4-.Ltmp1, $4  }
0x67: {  	s5 =	sshll.u32 s5, $0x7;
	_ =	swait.ge [sflag:s28], $0x80  }
0x68: {  	s0 =	sadd.s32 $0x8, s0;
	s31 =	sadd.s32 $0x4000, s5;
	[sflag:s28] =	ssyncset.done $0x0  }
0x69: {  	s2 =	sadd.s32 $0x1, s2;
	[sflag:s28] =	ssyncadd.s32 $0xFFFFFF80  }
0x6a: {  	[spmem:s1] =	stream.indirect.scatter.add.f32 [tilespmem:s5], [sflag:$0x1], $0x1, s31, s30, $0xb8;
	[tilespmem:$0x19000] =	vst v63  }
0x6b: {  	_ =	swait.ge [sflag:s28], $0x80  }
0x6c: {  	[sflag:s28] =	ssyncset.done $0x0  }
0x6d: {  	s0 =	simm.s32 $0x0;
	[sflag:s28] =	ssyncadd.s32 $0xFFFFFF80  }
0x6e: {  	[tilespmem:s0], [sflag:$0x1] =	stream.linear.gather [hbm4b:s7+s0], $0x4000, $0x38;
	[tilespmem:$0x19000] =	vst v63  }
0x6f: {  	_ =	swait.ge [sflag:s28], $0x4000  }
0x70: {  	[sflag:s28] =	ssyncset.done $0x0  }
0x71: {  	[sflag:s28] =	ssyncadd.s32 $0xFFFFC000  }
0x72: {  	[tilespmem:s29], [sflag:$0x1] =	stream.linear.gather [hbm4b:s8+s0], $0x4000, $0x38;
	[tilespmem:$0x19000] =	vst v63  }
0x73: {  	s2 =	simm.s32 $0x0;
	s0 =	sand.u32 $0x78, s0  }
0x74: {  	_ =	swait.ge [sflag:s28], $0x4000;
	s0 =	sor.u32 s2, s0  }
0x75: {  	[sflag:s28] =	ssyncset.done $0x0;
	s0 =	sshll.u32 s0, $0x7  }
0x76: {  	[sflag:s28] =	ssyncadd.s32 $0xFFFFC000;
	s31 =	sadd.s32 $0x4000, s0  }
0x77: {  	[spmem:s1] =	stream.indirect.scatter.add.f32 [tilespmem:s0], [sflag:$0x1], $0x1, s31, s30, $0xb8;
	[tilespmem:$0x19000] =	vst v63  }
0x78: {  	s2 =	simm.s32 $0x1;
	s0 =	simm.s32 $0x8  }
.LBB2_6:
0x79: {  	s5 =	sand.u32 $0x78, s0;
	s31 =	sshrl.u32 s2, $0x4;
	p0 =	sne.s32 s2, $0x7F  }
.Ltmp2:
0x7a: {  	s5 =	sor.u32 s31, s5;
	(pc) =	sbr.rel @p0 .LBB2_6-.Ltmp2, $4  }
0x7b: {  	s5 =	sshll.u32 s5, $0x7;
	_ =	swait.ge [sflag:s28], $0x80  }
0x7c: {  	s0 =	sadd.s32 $0x8, s0;
	s31 =	sadd.s32 $0x4000, s5;
	[sflag:s28] =	ssyncset.done $0x0  }
0x7d: {  	s2 =	sadd.s32 $0x1, s2;
	[sflag:s28] =	ssyncadd.s32 $0xFFFFFF80  }
0x7e: {  	[spmem:s1] =	stream.indirect.scatter.add.f32 [tilespmem:s5], [sflag:$0x1], $0x1, s31, s30, $0xb8;
	[tilespmem:$0x19000] =	vst v63  }
0x7f: {  	_ =	swait.ge [sflag:s28], $0x80;
	s0 =	stileid.u32  }
0x80: {  	s2 =	sshrl.u32 s4, $0x3;
	s5 =	simm.s32 $0x10;
	s3 =	sadd.s32 $0x1, s3  }
0x81: {  	[sflag:s28] =	ssyncset.done $0x0;
	s0 =	sshll.u32 s0, $0x6;
	p0 =	sne.s32 s3, s10  }
.Ltmp3:
0x82: {  	[sflag:s28] =	ssyncadd.s32 $0xFFFFFF80;
	s0 =	sor.u32 $0x1C01, s0;
	(pc) =	sbr.rel @p0 .LBB2_1-.Ltmp3, $4  }
0x83: {  	[hbm:s9@s30], [sflag:s0] =	dma.strided [spmem:s2@s5], $0x2000, s28, $0x10   }
0x84: {  	_ =	swait.ge [sflag:s28], $0x2000  }
0x85: {  	[sflag:s28] =	ssyncset.done $0x0  }
0x86: {  	[sflag:s28] =	ssyncadd.s32 $0xFFFFE000  }
0x87: {  	_ =	sfence.sel $0x180000  }
0x88: {  	[bflag:$0x0] =	sbarrier.arrive $0xFFFF  }
0x89: {  	_ =	strace $0x90000047  }
0x8a: {  	s0 =	stileid.u32;
	[bflag:$0x2] =	sbarrier.arrive $0xFFFF  }
0x8b: {  	p0 =	sne.s32 s0, $0x0;
	s0 =	rddreg [dreg:$0x4]  }
0x8c: {  	s0 =	sadd.s32 @!p0 $0x100000, s0  }
0x8d: {  	[sflag:s0] =	ssyncadd.tile.s32 @!p0 $0x1;
	_ =	shalt  }
.Lfunc_end2:
_tile_overlayer_lowered:
.L_overlay_start_2:
0x8e: {  	(tag) =	ssettag $0x2  }
0x8f: {  	s0 =	rddreg [dreg:$0x0];
	s2 =	stileid.u32  }
0x90: {  	s1 =	rddreg [dreg:$0x1];
	p0 =	sne.s32 s2, $0x0  }
0x91: {  	s3 =	rddreg [dreg:$0x2];
	[bflag:$0x3] =	sbarrier.arrive $0xFFFF;
	s2 =	simm.s32 @!p0 $0x1C01  }
0x92: {  	[timem:s3], [sflag:s2] =	dma.local @!p0 [hbm:s0], s1  }
0x93: {  	s0 =	simm.s32 @!p0 $0x1  }
0x94: {  	_ =	swait.ge @!p0 [sflag:s0], s1  }
0x95: {  	s1 =	ssub.s32 @!p0 $0x0, s1;
	[sflag:s0] =	ssyncset.done @!p0 $0x0  }
0x96: {  	[sflag:s0] =	ssyncadd.s32 @!p0 s1  }
0x97: {  	[bflag:$0x3] =	sbarrier.arrive $0xFFFF  }
0x98: {  	_ =	shalt  }

</sc_bundles>
